<compile_context>
chip_gen: v7x
topology: tpu7x:2x2x1
jax: 0.10.2.dev20260603
libtpu: 0.0.44.dev20260713+nightly
codegen_flags: <defaults>
</compile_context>

<pallas_src>
import functools

import jax
import jax.numpy as jnp
from jax import lax
from jax.experimental import pallas as pl
from jax.experimental.pallas import tpu as pltpu
from jax.experimental.pallas import tpu_sc as plsc

N = 10000
E = 320000
D = 128
H = 16

NW = 32
CHU = 2000
NCHU = E // (NW * CHU)
ROWS_W = N // 16
DEG_W = 632
N_DEG = 16 * DEG_W

_mesh = plsc.VectorSubcoreMesh(core_axis_name="c", subcore_axis_name="s")
_sc_params = pltpu.CompilerParams(use_tc_tiling_on_sc=False)


@functools.partial(
    pl.kernel,
    mesh=_mesh,
    out_type=jax.ShapeDtypeStruct((NW, 1, DEG_W), jnp.float32),
    compiler_params=_sc_params,
    scratch_types=[
        pltpu.VMEM((E // NW,), jnp.int32),
        pltpu.VMEM((E // NW,), jnp.float32),
        pltpu.VMEM((DEG_W,), jnp.float32),
        pltpu.VMEM_SHARED((N_DEG,), jnp.float32),
    ],
)
def _sc_deg(dst_hbm, ones_hbm, z_hbm, out_hbm, didx, onesv, zv, acc):
    c = lax.axis_index("c")
    s = lax.axis_index("s")
    w = c * 16 + s
    pltpu.sync_copy(z_hbm, zv)
    pltpu.sync_copy(zv, acc.at[pl.ds(s * DEG_W, DEG_W)])
    pltpu.sync_copy(ones_hbm, onesv)
    pltpu.sync_copy(dst_hbm.at[w], didx)
    plsc.subcore_barrier()
    pltpu.sync_copy(onesv, acc.at[didx], add=True)
    plsc.subcore_barrier()
    pltpu.sync_copy(acc.at[pl.ds(s * DEG_W, DEG_W)], zv)
    pltpu.sync_copy(zv, out_hbm.at[w, 0])


@functools.partial(
    pl.kernel,
    mesh=_mesh,
    out_type=jax.ShapeDtypeStruct((NW, ROWS_W, H), jnp.float32),
    compiler_params=_sc_params,
    scratch_types=[
        pltpu.VMEM((NCHU * CHU,), jnp.int32),
        pltpu.VMEM((NCHU * CHU,), jnp.int32),
        pltpu.VMEM((CHU, H), jnp.float32),
        pltpu.VMEM((CHU, H), jnp.float32),
        pltpu.VMEM((ROWS_W, H), jnp.float32),
        pltpu.VMEM_SHARED((N, H), jnp.float32),
        pltpu.SemaphoreType.DMA,
        pltpu.SemaphoreType.DMA,
    ],
)
def _sc_msg(g_hbm, src_hbm, dst_hbm, z_hbm, out_hbm, sidx, didx, rows0, rows1,
            zv, acc, sem0, sem1):
    c = lax.axis_index("c")
    s = lax.axis_index("s")
    w = c * 16 + s
    pltpu.sync_copy(z_hbm, zv)
    pltpu.sync_copy(zv, acc.at[pl.ds(s * ROWS_W, ROWS_W)])
    pltpu.sync_copy(src_hbm.at[w], sidx)
    pltpu.sync_copy(dst_hbm.at[w], didx)
    plsc.subcore_barrier()

    def gather(k, rows, sem):
        return pltpu.async_copy(g_hbm.at[sidx.at[pl.ds(k * CHU, CHU)]],
                                rows, sem)

    def scatter(k, rows):
        pltpu.sync_copy(rows, acc.at[didx.at[pl.ds(k * CHU, CHU)]], add=True)

    gather(0, rows0, sem0).wait()

    def body(p, carry):
        h1 = gather(2 * p + 1, rows1, sem1)
        scatter(2 * p, rows0)
        h1.wait()
        h0 = gather(2 * p + 2, rows0, sem0)
        scatter(2 * p + 1, rows1)
        h0.wait()
        return carry

    lax.fori_loop(0, (NCHU - 1) // 2, body, 0)
    scatter(NCHU - 1, rows0)
    plsc.subcore_barrier()
    pltpu.sync_copy(acc.at[pl.ds(s * ROWS_W, ROWS_W)], zv)
    pltpu.sync_copy(zv, out_hbm.at[w])


def _tc_a_body(x_ref, w0_ref, dp_ref, g_ref, dinv_ref):
    deg = dp_ref[0] + dp_ref[1] + 1.0
    dinv = lax.rsqrt(deg)
    h = jnp.dot(x_ref[...], w0_ref[...], preferred_element_type=jnp.float32)
    g_ref[...] = h * dinv
    dinv_ref[...] = dinv


def _tc_a(x, W0, degparts):
    dp = degparts.reshape(2, N, 1)
    return pl.pallas_call(
        _tc_a_body,
        out_shape=[
            jax.ShapeDtypeStruct((N, H), jnp.float32),
            jax.ShapeDtypeStruct((N, 1), jnp.float32),
        ],
    )(x, W0, dp)


def _tc_b_body(p_ref, g_ref, dinv_ref, w1_ref, g1_ref):
    dinv = dinv_ref[...]
    o1 = dinv * (p_ref[0] + p_ref[1] + g_ref[...])
    a = jnp.maximum(o1, 0.0)
    h1 = jnp.dot(a, w1_ref[...], preferred_element_type=jnp.float32)
    g1_ref[...] = h1 * dinv


def _tc_b(parts, g, dinv, W1):
    return pl.pallas_call(
        _tc_b_body,
        out_shape=jax.ShapeDtypeStruct((N, H), jnp.float32),
    )(parts, g, dinv, W1)


def _tc_c_body(p_ref, g1_ref, dinv_ref, out_ref):
    o2 = dinv_ref[...] * (p_ref[0] + p_ref[1] + g1_ref[...])
    out_ref[...] = jnp.exp(o2) + 1.0


def _tc_c(parts, g1, dinv):
    return pl.pallas_call(
        _tc_c_body,
        out_shape=jax.ShapeDtypeStruct((N, H), jnp.float32),
    )(parts, g1, dinv)


def kernel(x, edge_index, W0, W1):
    src4 = edge_index[0].reshape(NW, NCHU * CHU)
    dst4 = edge_index[1].reshape(NW, NCHU * CHU)
    zrows = jnp.zeros((ROWS_W, H), jnp.float32)
    zvec = jnp.zeros((DEG_W,), jnp.float32)
    ones = jnp.ones((E // NW,), jnp.float32)

    degparts = _sc_deg(dst4, ones, zvec).reshape(2, N_DEG)[:, :N]
    g, dinv = _tc_a(x, W0, degparts)
    parts1 = _sc_msg(g, src4, dst4, zrows).reshape(2, N, H)
    g1 = _tc_b(parts1, g, dinv, W1)
    parts2 = _sc_msg(g1, src4, dst4, zrows).reshape(2, N, H)
    return _tc_c(parts2, g1, dinv)

# --- scband reference (transcript-rebuilt; emitter-appended) ---
"""Pipeline reference for scband-subjective-gcn-88441966559606 (READ-ONLY COPY).

The authoritative reference and input builder live on the scoring server;
editing this copy changes nothing except your own understanding.
"""

import jax, jax.numpy as jnp
import numpy as np

N = 10000
E = 320000
D = 128
H = 16
L = 16


def setup_inputs(seed: int = 0) -> dict:
    key = jax.random.key(seed)
    k1, k2, k3, k4 = jax.random.split(key, 4)
    x = jax.random.normal(k1, (N, D), dtype=jnp.float32)
    edge_index = jax.random.randint(k2, (2, E), 0, N, dtype=jnp.int32)
    W0 = jax.random.normal(k3, (D, H), dtype=jnp.float32) * (1.0 / np.sqrt(D))
    W1 = jax.random.normal(k4, (H, L), dtype=jnp.float32) * (1.0 / np.sqrt(H))
    return {"x": x, "edge_index": edge_index, "W0": W0, "W1": W1}


def _gcn_conv(x, W, src, dst):
    # PyG GCNConv (bias=False): x' = D^{-1/2} (A + I) D^{-1/2} (x W)
    n = x.shape[0]
    h = x @ W
    loop = jnp.arange(n, dtype=src.dtype)
    src_full = jnp.concatenate([src, loop])
    dst_full = jnp.concatenate([dst, loop])
    ones = jnp.ones(src_full.shape[0], dtype=jnp.float32)
    deg = jax.ops.segment_sum(ones, dst_full, num_segments=n)
    dinv = 1.0 / jnp.sqrt(jnp.clip(deg, 1.0))
    norm = dinv[src_full] * dinv[dst_full]
    msgs = h[src_full] * norm[:, None]
    return jax.ops.segment_sum(msgs, dst_full, num_segments=n)


def reference(x, edge_index, W0, W1):
    # eval mode: dropout is identity
    src = edge_index[0]
    dst = edge_index[1]
    h = _gcn_conv(x, W0, src, dst)
    h = jax.nn.relu(h)
    h = _gcn_conv(h, W1, src, dst)
    # subjective output activation: exp(x) + 1
    return jnp.exp(h) + 1.0

if __name__ == "__main__":
    import jax
    _d = setup_inputs()
    print(jax.jit(kernel)(*tuple(_d.values())))

</pallas_src>

<mosaic_0001>
#map = affine_map<(d0, d1) -> (0, 0)>
#map1 = affine_map<(d0, d1) -> (0, 0, 0)>
module attributes {stable_mosaic.version = 14 : i64} {
  func.func @_sc_msg(%arg0: i32, %arg1: i32, %arg2: memref<10000x16xf32, #tpu.memory_space<hbm>>, %arg3: memref<32x10000xi32, #tpu.memory_space<hbm>>, %arg4: memref<32x10000xi32, #tpu.memory_space<hbm>>, %arg5: memref<625x16xf32, #tpu.memory_space<hbm>>, %arg6: memref<32x625x16xf32, #tpu.memory_space<hbm>>, %arg7: memref<10000xi32, #tpu.memory_space<vmem>>, %arg8: memref<10000xi32, #tpu.memory_space<vmem>>, %arg9: memref<2000x16xf32, #tpu.memory_space<vmem>>, %arg10: memref<2000x16xf32, #tpu.memory_space<vmem>>, %arg11: memref<625x16xf32, #tpu.memory_space<vmem>>, %arg12: memref<10000x16xf32, #tpu.memory_space<vmem_shared>>, %arg13: memref<!tpu.dma_semaphore, #tpu.memory_space<semaphore_mem>>, %arg14: memref<!tpu.dma_semaphore, #tpu.memory_space<semaphore_mem>>) attributes {dimension_semantics = [#tpu.dimension_semantics<core_parallel>, #tpu.dimension_semantics<subcore_parallel>], iteration_bounds = array<i64: 2, 16>, scalar_prefetch = 0 : i64, scratch_operands = 8 : i64, tpu.core_type = #tpu.core_type<sc_vector_subcore>, window_params = [{transform_indices = #map}, {transform_indices = #map}, {transform_indices = #map}, {transform_indices = #map}, {transform_indices = #map1}]} {
    %mul3A = arith.constant 16 : i32
    %mul3A_0 = arith.muli %arg0, %mul3A : i32
    %add3A = arith.addi %mul3A_0, %arg1 : i32
    "tpu.region"() ({
      %run_scoped3A = tpu.sem_alloc : memref<!tpu.dma_semaphore, #tpu.memory_space<semaphore_mem>>
      tpu.enqueue_dma source(%arg5 : memref<625x16xf32, #tpu.memory_space<hbm>>) target(%arg11 : memref<625x16xf32, #tpu.memory_space<vmem>>) target_semaphore(%run_scoped3A : memref<!tpu.dma_semaphore, #tpu.memory_space<semaphore_mem>>)
      tpu.wait_dma2 semaphore(%run_scoped3A : memref<!tpu.dma_semaphore, #tpu.memory_space<semaphore_mem>>) src(%arg5 : memref<625x16xf32, #tpu.memory_space<hbm>>) dst(%arg11 : memref<625x16xf32, #tpu.memory_space<vmem>>)
      tpu.yield
    }) : () -> ()
    %mul3A_1 = arith.constant 625 : i32
    %mul3A_2 = arith.muli %arg1, %mul3A_1 : i32
    "tpu.region"() ({
      %run_scoped3A = tpu.sem_alloc : memref<!tpu.dma_semaphore, #tpu.memory_space<semaphore_mem>>
      %dma_start3A_19 = arith.constant 0 : i32
      %dma_start3A_20 = tpu.memref_slice %arg12[%mul3A_2, %dma_start3A_19] : memref<10000x16xf32, #tpu.memory_space<vmem_shared>> -> memref<625x16xf32, #tpu.memory_space<vmem_shared>>
      %dma_start3A_21 = arith.constant 0 : i32
      %dma_start3A_22 = tpu.memref_slice %arg12[%mul3A_2, %dma_start3A_21] : memref<10000x16xf32, #tpu.memory_space<vmem_shared>> -> memref<625x16xf32, #tpu.memory_space<vmem_shared>>
      tpu.enqueue_dma source(%arg11 : memref<625x16xf32, #tpu.memory_space<vmem>>) target(%dma_start3A_22 : memref<625x16xf32, #tpu.memory_space<vmem_shared>>) target_semaphore(%run_scoped3A : memref<!tpu.dma_semaphore, #tpu.memory_space<semaphore_mem>>)
      %dma_wait3A_23 = arith.constant 0 : i32
      %dma_wait3A_24 = tpu.memref_slice %arg12[%mul3A_2, %dma_wait3A_23] : memref<10000x16xf32, #tpu.memory_space<vmem_shared>> -> memref<625x16xf32, #tpu.memory_space<vmem_shared>>
      %dma_wait3A_25 = arith.constant 0 : i32
      %dma_wait3A_26 = tpu.memref_slice %arg12[%mul3A_2, %dma_wait3A_25] : memref<10000x16xf32, #tpu.memory_space<vmem_shared>> -> memref<625x16xf32, #tpu.memory_space<vmem_shared>>
      tpu.wait_dma2 semaphore(%run_scoped3A : memref<!tpu.dma_semaphore, #tpu.memory_space<semaphore_mem>>) src(%arg11 : memref<625x16xf32, #tpu.memory_space<vmem>>) dst(%dma_wait3A_26 : memref<625x16xf32, #tpu.memory_space<vmem_shared>>)
      tpu.yield
    }) : () -> ()
    "tpu.region"() ({
      %run_scoped3A = tpu.sem_alloc : memref<!tpu.dma_semaphore, #tpu.memory_space<semaphore_mem>>
      %dma_start3A_19 = arith.constant 0 : i32
      %dma_start3A_20 = tpu.memref_slice %arg3[%add3A, %dma_start3A_19] : memref<32x10000xi32, #tpu.memory_space<hbm>> -> memref<1x10000xi32, #tpu.memory_space<hbm>>
      %dma_start3A_21 = tpu.memref_squeeze %dma_start3A_20 : memref<1x10000xi32, #tpu.memory_space<hbm>> -> memref<10000xi32, #tpu.memory_space<hbm>>
      %dma_start3A_22 = arith.constant 0 : i32
      %dma_start3A_23 = tpu.memref_slice %arg3[%add3A, %dma_start3A_22] : memref<32x10000xi32, #tpu.memory_space<hbm>> -> memref<1x10000xi32, #tpu.memory_space<hbm>>
      %dma_start3A_24 = tpu.memref_squeeze %dma_start3A_23 : memref<1x10000xi32, #tpu.memory_space<hbm>> -> memref<10000xi32, #tpu.memory_space<hbm>>
      tpu.enqueue_dma source(%dma_start3A_24 : memref<10000xi32, #tpu.memory_space<hbm>>) target(%arg7 : memref<10000xi32, #tpu.memory_space<vmem>>) target_semaphore(%run_scoped3A : memref<!tpu.dma_semaphore, #tpu.memory_space<semaphore_mem>>)
      %dma_wait3A_25 = arith.constant 0 : i32
      %dma_wait3A_26 = tpu.memref_slice %arg3[%add3A, %dma_wait3A_25] : memref<32x10000xi32, #tpu.memory_space<hbm>> -> memref<1x10000xi32, #tpu.memory_space<hbm>>
      %dma_wait3A_27 = tpu.memref_squeeze %dma_wait3A_26 : memref<1x10000xi32, #tpu.memory_space<hbm>> -> memref<10000xi32, #tpu.memory_space<hbm>>
      %dma_wait3A_28 = arith.constant 0 : i32
      %dma_wait3A_29 = tpu.memref_slice %arg3[%add3A, %dma_wait3A_28] : memref<32x10000xi32, #tpu.memory_space<hbm>> -> memref<1x10000xi32, #tpu.memory_space<hbm>>
      %dma_wait3A_30 = tpu.memref_squeeze %dma_wait3A_29 : memref<1x10000xi32, #tpu.memory_space<hbm>> -> memref<10000xi32, #tpu.memory_space<hbm>>
      tpu.wait_dma2 semaphore(%run_scoped3A : memref<!tpu.dma_semaphore, #tpu.memory_space<semaphore_mem>>) src(%dma_wait3A_30 : memref<10000xi32, #tpu.memory_space<hbm>>) dst(%arg7 : memref<10000xi32, #tpu.memory_space<vmem>>)
      tpu.yield
    }) : () -> ()
    "tpu.region"() ({
      %run_scoped3A = tpu.sem_alloc : memref<!tpu.dma_semaphore, #tpu.memory_space<semaphore_mem>>
      %dma_start3A_19 = arith.constant 0 : i32
      %dma_start3A_20 = tpu.memref_slice %arg4[%add3A, %dma_start3A_19] : memref<32x10000xi32, #tpu.memory_space<hbm>> -> memref<1x10000xi32, #tpu.memory_space<hbm>>
      %dma_start3A_21 = tpu.memref_squeeze %dma_start3A_20 : memref<1x10000xi32, #tpu.memory_space<hbm>> -> memref<10000xi32, #tpu.memory_space<hbm>>
      %dma_start3A_22 = arith.constant 0 : i32
      %dma_start3A_23 = tpu.memref_slice %arg4[%add3A, %dma_start3A_22] : memref<32x10000xi32, #tpu.memory_space<hbm>> -> memref<1x10000xi32, #tpu.memory_space<hbm>>
      %dma_start3A_24 = tpu.memref_squeeze %dma_start3A_23 : memref<1x10000xi32, #tpu.memory_space<hbm>> -> memref<10000xi32, #tpu.memory_space<hbm>>
      tpu.enqueue_dma source(%dma_start3A_24 : memref<10000xi32, #tpu.memory_space<hbm>>) target(%arg8 : memref<10000xi32, #tpu.memory_space<vmem>>) target_semaphore(%run_scoped3A : memref<!tpu.dma_semaphore, #tpu.memory_space<semaphore_mem>>)
      %dma_wait3A_25 = arith.constant 0 : i32
      %dma_wait3A_26 = tpu.memref_slice %arg4[%add3A, %dma_wait3A_25] : memref<32x10000xi32, #tpu.memory_space<hbm>> -> memref<1x10000xi32, #tpu.memory_space<hbm>>
      %dma_wait3A_27 = tpu.memref_squeeze %dma_wait3A_26 : memref<1x10000xi32, #tpu.memory_space<hbm>> -> memref<10000xi32, #tpu.memory_space<hbm>>
      %dma_wait3A_28 = arith.constant 0 : i32
      %dma_wait3A_29 = tpu.memref_slice %arg4[%add3A, %dma_wait3A_28] : memref<32x10000xi32, #tpu.memory_space<hbm>> -> memref<1x10000xi32, #tpu.memory_space<hbm>>
      %dma_wait3A_30 = tpu.memref_squeeze %dma_wait3A_29 : memref<1x10000xi32, #tpu.memory_space<hbm>> -> memref<10000xi32, #tpu.memory_space<hbm>>
      tpu.wait_dma2 semaphore(%run_scoped3A : memref<!tpu.dma_semaphore, #tpu.memory_space<semaphore_mem>>) src(%dma_wait3A_30 : memref<10000xi32, #tpu.memory_space<hbm>>) dst(%arg8 : memref<10000xi32, #tpu.memory_space<vmem>>)
      tpu.yield
    }) : () -> ()
    %barrier3A = arith.constant 0 : index
    tpu.barrier barrier_id(%barrier3A)
    %dma_start3A = arith.constant 0 : i32
    %dma_start3A_3 = tpu.memref_slice %arg7[%dma_start3A] : memref<10000xi32, #tpu.memory_space<vmem>> -> memref<2000xi32, #tpu.memory_space<vmem>>
    %dma_start3A_4 = arith.constant 0 : i32
    %dma_start3A_5 = arith.constant 0 : i32
    %dma_start3A_6 = tpu.memref_slice %arg2[%dma_start3A_4, %dma_start3A_5] : memref<10000x16xf32, #tpu.memory_space<hbm>> -> memref<10000x16xf32, #tpu.memory_space<hbm>>
    tpu.enqueue_indirect_dma source(%dma_start3A_6 : memref<10000x16xf32, #tpu.memory_space<hbm>>) target(%arg9 : memref<2000x16xf32, #tpu.memory_space<vmem>>) offsets(%dma_start3A_3 : memref<2000xi32, #tpu.memory_space<vmem>>) semaphore(%arg13 : memref<!tpu.dma_semaphore, #tpu.memory_space<semaphore_mem>>)
    %dma_wait3A = arith.constant 0 : i32
    %dma_wait3A_7 = tpu.memref_slice %arg7[%dma_wait3A] : memref<10000xi32, #tpu.memory_space<vmem>> -> memref<2000xi32, #tpu.memory_space<vmem>>
    %dma_wait3A_8 = arith.constant 0 : i32
    %dma_wait3A_9 = arith.constant 0 : i32
    %dma_wait3A_10 = tpu.memref_slice %arg2[%dma_wait3A_8, %dma_wait3A_9] : memref<10000x16xf32, #tpu.memory_space<hbm>> -> memref<10000x16xf32, #tpu.memory_space<hbm>>
    tpu.wait_indirect_dma semaphore(%arg13 : memref<!tpu.dma_semaphore, #tpu.memory_space<semaphore_mem>>) src(%dma_wait3A_10 : memref<10000x16xf32, #tpu.memory_space<hbm>>) dst(%arg9 : memref<2000x16xf32, #tpu.memory_space<vmem>>)
    %scan3A = arith.constant 0 : i32
    %scan3A_11 = arith.constant 0 : i32
    %scan3A_12 = arith.constant 2 : i32
    %scan3A_13 = arith.addi %scan3A_11, %scan3A_12 : i32
    %scan3A_14 = arith.constant 1 : i32
    scf.for %scan3A_19 = %scan3A_11 to %scan3A_13 step %scan3A_14  : i32 {
      %mul3A_20 = arith.constant 2 : i32
      %mul3A_21 = arith.muli %mul3A_20, %scan3A_19 : i32
      %add3A_22 = arith.constant 1 : i32
      %add3A_23 = arith.addi %mul3A_21, %add3A_22 : i32
      %mul3A_24 = arith.constant 2000 : i32
      %mul3A_25 = arith.muli %add3A_23, %mul3A_24 : i32
      %dma_start3A_26 = tpu.memref_slice %arg7[%mul3A_25] : memref<10000xi32, #tpu.memory_space<vmem>> -> memref<2000xi32, #tpu.memory_space<vmem>>
      %dma_start3A_27 = arith.constant 0 : i32
      %dma_start3A_28 = arith.constant 0 : i32
      %dma_start3A_29 = tpu.memref_slice %arg2[%dma_start3A_27, %dma_start3A_28] : memref<10000x16xf32, #tpu.memory_space<hbm>> -> memref<10000x16xf32, #tpu.memory_space<hbm>>
      tpu.enqueue_indirect_dma source(%dma_start3A_29 : memref<10000x16xf32, #tpu.memory_space<hbm>>) target(%arg10 : memref<2000x16xf32, #tpu.memory_space<vmem>>) offsets(%dma_start3A_26 : memref<2000xi32, #tpu.memory_space<vmem>>) semaphore(%arg14 : memref<!tpu.dma_semaphore, #tpu.memory_space<semaphore_mem>>)
      %mul3A_30 = arith.constant 2 : i32
      %mul3A_31 = arith.muli %mul3A_30, %scan3A_19 : i32
      %mul3A_32 = arith.constant 2000 : i32
      %mul3A_33 = arith.muli %mul3A_31, %mul3A_32 : i32
      "tpu.region"() ({
        %run_scoped3A = tpu.sem_alloc : memref<!tpu.dma_semaphore, #tpu.memory_space<semaphore_mem>>
        %dma_start3A_58 = tpu.memref_slice %arg8[%mul3A_33] : memref<10000xi32, #tpu.memory_space<vmem>> -> memref<2000xi32, #tpu.memory_space<vmem>>
        %dma_start3A_59 = arith.constant 0 : i32
        %dma_start3A_60 = arith.constant 0 : i32
        %dma_start3A_61 = tpu.memref_slice %arg12[%dma_start3A_59, %dma_start3A_60] : memref<10000x16xf32, #tpu.memory_space<vmem_shared>> -> memref<10000x16xf32, #tpu.memory_space<vmem_shared>>
        tpu.enqueue_indirect_dma source(%arg9 : memref<2000x16xf32, #tpu.memory_space<vmem>>) target(%dma_start3A_61 : memref<10000x16xf32, #tpu.memory_space<vmem_shared>>) offsets(%dma_start3A_58 : memref<2000xi32, #tpu.memory_space<vmem>>) semaphore(%run_scoped3A : memref<!tpu.dma_semaphore, #tpu.memory_space<semaphore_mem>>) {add = true}
        %dma_wait3A_62 = tpu.memref_slice %arg8[%mul3A_33] : memref<10000xi32, #tpu.memory_space<vmem>> -> memref<2000xi32, #tpu.memory_space<vmem>>
        %dma_wait3A_63 = arith.constant 0 : i32
        %dma_wait3A_64 = arith.constant 0 : i32
        %dma_wait3A_65 = tpu.memref_slice %arg12[%dma_wait3A_63, %dma_wait3A_64] : memref<10000x16xf32, #tpu.memory_space<vmem_shared>> -> memref<10000x16xf32, #tpu.memory_space<vmem_shared>>
        tpu.wait_indirect_dma semaphore(%run_scoped3A : memref<!tpu.dma_semaphore, #tpu.memory_space<semaphore_mem>>) src(%arg9 : memref<2000x16xf32, #tpu.memory_space<vmem>>) dst(%dma_wait3A_65 : memref<10000x16xf32, #tpu.memory_space<vmem_shared>>)
        tpu.yield
      }) : () -> ()
      %dma_wait3A_34 = tpu.memref_slice %arg7[%mul3A_25] : memref<10000xi32, #tpu.memory_space<vmem>> -> memref<2000xi32, #tpu.memory_space<vmem>>
      %dma_wait3A_35 = arith.constant 0 : i32
      %dma_wait3A_36 = arith.constant 0 : i32
      %dma_wait3A_37 = tpu.memref_slice %arg2[%dma_wait3A_35, %dma_wait3A_36] : memref<10000x16xf32, #tpu.memory_space<hbm>> -> memref<10000x16xf32, #tpu.memory_space<hbm>>
      tpu.wait_indirect_dma semaphore(%arg14 : memref<!tpu.dma_semaphore, #tpu.memory_space<semaphore_mem>>) src(%dma_wait3A_37 : memref<10000x16xf32, #tpu.memory_space<hbm>>) dst(%arg10 : memref<2000x16xf32, #tpu.memory_space<vmem>>)
      %mul3A_38 = arith.constant 2 : i32
      %mul3A_39 = arith.muli %mul3A_38, %scan3A_19 : i32
      %add3A_40 = arith.constant 2 : i32
      %add3A_41 = arith.addi %mul3A_39, %add3A_40 : i32
      %mul3A_42 = arith.constant 2000 : i32
      %mul3A_43 = arith.muli %add3A_41, %mul3A_42 : i32
      %dma_start3A_44 = tpu.memref_slice %arg7[%mul3A_43] : memref<10000xi32, #tpu.memory_space<vmem>> -> memref<2000xi32, #tpu.memory_space<vmem>>
      %dma_start3A_45 = arith.constant 0 : i32
      %dma_start3A_46 = arith.constant 0 : i32
      %dma_start3A_47 = tpu.memref_slice %arg2[%dma_start3A_45, %dma_start3A_46] : memref<10000x16xf32, #tpu.memory_space<hbm>> -> memref<10000x16xf32, #tpu.memory_space<hbm>>
      tpu.enqueue_indirect_dma source(%dma_start3A_47 : memref<10000x16xf32, #tpu.memory_space<hbm>>) target(%arg9 : memref<2000x16xf32, #tpu.memory_space<vmem>>) offsets(%dma_start3A_44 : memref<2000xi32, #tpu.memory_space<vmem>>) semaphore(%arg13 : memref<!tpu.dma_semaphore, #tpu.memory_space<semaphore_mem>>)
      %mul3A_48 = arith.constant 2 : i32
      %mul3A_49 = arith.muli %mul3A_48, %scan3A_19 : i32
      %add3A_50 = arith.constant 1 : i32
      %add3A_51 = arith.addi %mul3A_49, %add3A_50 : i32
      %mul3A_52 = arith.constant 2000 : i32
      %mul3A_53 = arith.muli %add3A_51, %mul3A_52 : i32
      "tpu.region"() ({
        %run_scoped3A = tpu.sem_alloc : memref<!tpu.dma_semaphore, #tpu.memory_space<semaphore_mem>>
        %dma_start3A_58 = tpu.memref_slice %arg8[%mul3A_53] : memref<10000xi32, #tpu.memory_space<vmem>> -> memref<2000xi32, #tpu.memory_space<vmem>>
        %dma_start3A_59 = arith.constant 0 : i32
        %dma_start3A_60 = arith.constant 0 : i32
        %dma_start3A_61 = tpu.memref_slice %arg12[%dma_start3A_59, %dma_start3A_60] : memref<10000x16xf32, #tpu.memory_space<vmem_shared>> -> memref<10000x16xf32, #tpu.memory_space<vmem_shared>>
        tpu.enqueue_indirect_dma source(%arg10 : memref<2000x16xf32, #tpu.memory_space<vmem>>) target(%dma_start3A_61 : memref<10000x16xf32, #tpu.memory_space<vmem_shared>>) offsets(%dma_start3A_58 : memref<2000xi32, #tpu.memory_space<vmem>>) semaphore(%run_scoped3A : memref<!tpu.dma_semaphore, #tpu.memory_space<semaphore_mem>>) {add = true}
        %dma_wait3A_62 = tpu.memref_slice %arg8[%mul3A_53] : memref<10000xi32, #tpu.memory_space<vmem>> -> memref<2000xi32, #tpu.memory_space<vmem>>
        %dma_wait3A_63 = arith.constant 0 : i32
        %dma_wait3A_64 = arith.constant 0 : i32
        %dma_wait3A_65 = tpu.memref_slice %arg12[%dma_wait3A_63, %dma_wait3A_64] : memref<10000x16xf32, #tpu.memory_space<vmem_shared>> -> memref<10000x16xf32, #tpu.memory_space<vmem_shared>>
        tpu.wait_indirect_dma semaphore(%run_scoped3A : memref<!tpu.dma_semaphore, #tpu.memory_space<semaphore_mem>>) src(%arg10 : memref<2000x16xf32, #tpu.memory_space<vmem>>) dst(%dma_wait3A_65 : memref<10000x16xf32, #tpu.memory_space<vmem_shared>>)
        tpu.yield
      }) : () -> ()
      %dma_wait3A_54 = tpu.memref_slice %arg7[%mul3A_43] : memref<10000xi32, #tpu.memory_space<vmem>> -> memref<2000xi32, #tpu.memory_space<vmem>>
      %dma_wait3A_55 = arith.constant 0 : i32
      %dma_wait3A_56 = arith.constant 0 : i32
      %dma_wait3A_57 = tpu.memref_slice %arg2[%dma_wait3A_55, %dma_wait3A_56] : memref<10000x16xf32, #tpu.memory_space<hbm>> -> memref<10000x16xf32, #tpu.memory_space<hbm>>
      tpu.wait_indirect_dma semaphore(%arg13 : memref<!tpu.dma_semaphore, #tpu.memory_space<semaphore_mem>>) src(%dma_wait3A_57 : memref<10000x16xf32, #tpu.memory_space<hbm>>) dst(%arg9 : memref<2000x16xf32, #tpu.memory_space<vmem>>)
    }
    %scan3A_15 = arith.constant 2 : i32
    "tpu.region"() ({
      %run_scoped3A = tpu.sem_alloc : memref<!tpu.dma_semaphore, #tpu.memory_space<semaphore_mem>>
      %dma_start3A_19 = arith.constant 8000 : i32
      %dma_start3A_20 = tpu.memref_slice %arg8[%dma_start3A_19] : memref<10000xi32, #tpu.memory_space<vmem>> -> memref<2000xi32, #tpu.memory_space<vmem>>
      %dma_start3A_21 = arith.constant 0 : i32
      %dma_start3A_22 = arith.constant 0 : i32
      %dma_start3A_23 = tpu.memref_slice %arg12[%dma_start3A_21, %dma_start3A_22] : memref<10000x16xf32, #tpu.memory_space<vmem_shared>> -> memref<10000x16xf32, #tpu.memory_space<vmem_shared>>
      tpu.enqueue_indirect_dma source(%arg9 : memref<2000x16xf32, #tpu.memory_space<vmem>>) target(%dma_start3A_23 : memref<10000x16xf32, #tpu.memory_space<vmem_shared>>) offsets(%dma_start3A_20 : memref<2000xi32, #tpu.memory_space<vmem>>) semaphore(%run_scoped3A : memref<!tpu.dma_semaphore, #tpu.memory_space<semaphore_mem>>) {add = true}
      %dma_wait3A_24 = arith.constant 8000 : i32
      %dma_wait3A_25 = tpu.memref_slice %arg8[%dma_wait3A_24] : memref<10000xi32, #tpu.memory_space<vmem>> -> memref<2000xi32, #tpu.memory_space<vmem>>
      %dma_wait3A_26 = arith.constant 0 : i32
      %dma_wait3A_27 = arith.constant 0 : i32
      %dma_wait3A_28 = tpu.memref_slice %arg12[%dma_wait3A_26, %dma_wait3A_27] : memref<10000x16xf32, #tpu.memory_space<vmem_shared>> -> memref<10000x16xf32, #tpu.memory_space<vmem_shared>>
      tpu.wait_indirect_dma semaphore(%run_scoped3A : memref<!tpu.dma_semaphore, #tpu.memory_space<semaphore_mem>>) src(%arg9 : memref<2000x16xf32, #tpu.memory_space<vmem>>) dst(%dma_wait3A_28 : memref<10000x16xf32, #tpu.memory_space<vmem_shared>>)
      tpu.yield
    }) : () -> ()
    %barrier3A_16 = arith.constant 0 : index
    tpu.barrier barrier_id(%barrier3A_16)
    %mul3A_17 = arith.constant 625 : i32
    %mul3A_18 = arith.muli %arg1, %mul3A_17 : i32
    "tpu.region"() ({
      %run_scoped3A = tpu.sem_alloc : memref<!tpu.dma_semaphore, #tpu.memory_space<semaphore_mem>>
      %dma_start3A_19 = arith.constant 0 : i32
      %dma_start3A_20 = tpu.memref_slice %arg12[%mul3A_18, %dma_start3A_19] : memref<10000x16xf32, #tpu.memory_space<vmem_shared>> -> memref<625x16xf32, #tpu.memory_space<vmem_shared>>
      %dma_start3A_21 = arith.constant 0 : i32
      %dma_start3A_22 = tpu.memref_slice %arg12[%mul3A_18, %dma_start3A_21] : memref<10000x16xf32, #tpu.memory_space<vmem_shared>> -> memref<625x16xf32, #tpu.memory_space<vmem_shared>>
      tpu.enqueue_dma source(%dma_start3A_22 : memref<625x16xf32, #tpu.memory_space<vmem_shared>>) target(%arg11 : memref<625x16xf32, #tpu.memory_space<vmem>>) target_semaphore(%run_scoped3A : memref<!tpu.dma_semaphore, #tpu.memory_space<semaphore_mem>>)
      %dma_wait3A_23 = arith.constant 0 : i32
      %dma_wait3A_24 = tpu.memref_slice %arg12[%mul3A_18, %dma_wait3A_23] : memref<10000x16xf32, #tpu.memory_space<vmem_shared>> -> memref<625x16xf32, #tpu.memory_space<vmem_shared>>
      %dma_wait3A_25 = arith.constant 0 : i32
      %dma_wait3A_26 = tpu.memref_slice %arg12[%mul3A_18, %dma_wait3A_25] : memref<10000x16xf32, #tpu.memory_space<vmem_shared>> -> memref<625x16xf32, #tpu.memory_space<vmem_shared>>
      tpu.wait_dma2 semaphore(%run_scoped3A : memref<!tpu.dma_semaphore, #tpu.memory_space<semaphore_mem>>) src(%dma_wait3A_26 : memref<625x16xf32, #tpu.memory_space<vmem_shared>>) dst(%arg11 : memref<625x16xf32, #tpu.memory_space<vmem>>)
      tpu.yield
    }) : () -> ()
    "tpu.region"() ({
      %run_scoped3A = tpu.sem_alloc : memref<!tpu.dma_semaphore, #tpu.memory_space<semaphore_mem>>
      %dma_start3A_19 = arith.constant 0 : i32
      %dma_start3A_20 = arith.constant 0 : i32
      %dma_start3A_21 = tpu.memref_slice %arg6[%add3A, %dma_start3A_19, %dma_start3A_20] : memref<32x625x16xf32, #tpu.memory_space<hbm>> -> memref<1x625x16xf32, #tpu.memory_space<hbm>>
      %dma_start3A_22 = tpu.memref_squeeze %dma_start3A_21 : memref<1x625x16xf32, #tpu.memory_space<hbm>> -> memref<625x16xf32, #tpu.memory_space<hbm>>
      %dma_start3A_23 = arith.constant 0 : i32
      %dma_start3A_24 = arith.constant 0 : i32
      %dma_start3A_25 = tpu.memref_slice %arg6[%add3A, %dma_start3A_23, %dma_start3A_24] : memref<32x625x16xf32, #tpu.memory_space<hbm>> -> memref<1x625x16xf32, #tpu.memory_space<hbm>>
      %dma_start3A_26 = tpu.memref_squeeze %dma_start3A_25 : memref<1x625x16xf32, #tpu.memory_space<hbm>> -> memref<625x16xf32, #tpu.memory_space<hbm>>
      tpu.enqueue_dma source(%arg11 : memref<625x16xf32, #tpu.memory_space<vmem>>) target(%dma_start3A_26 : memref<625x16xf32, #tpu.memory_space<hbm>>) target_semaphore(%run_scoped3A : memref<!tpu.dma_semaphore, #tpu.memory_space<semaphore_mem>>)
      %dma_wait3A_27 = arith.constant 0 : i32
      %dma_wait3A_28 = arith.constant 0 : i32
      %dma_wait3A_29 = tpu.memref_slice %arg6[%add3A, %dma_wait3A_27, %dma_wait3A_28] : memref<32x625x16xf32, #tpu.memory_space<hbm>> -> memref<1x625x16xf32, #tpu.memory_space<hbm>>
      %dma_wait3A_30 = tpu.memref_squeeze %dma_wait3A_29 : memref<1x625x16xf32, #tpu.memory_space<hbm>> -> memref<625x16xf32, #tpu.memory_space<hbm>>
      %dma_wait3A_31 = arith.constant 0 : i32
      %dma_wait3A_32 = arith.constant 0 : i32
      %dma_wait3A_33 = tpu.memref_slice %arg6[%add3A, %dma_wait3A_31, %dma_wait3A_32] : memref<32x625x16xf32, #tpu.memory_space<hbm>> -> memref<1x625x16xf32, #tpu.memory_space<hbm>>
      %dma_wait3A_34 = tpu.memref_squeeze %dma_wait3A_33 : memref<1x625x16xf32, #tpu.memory_space<hbm>> -> memref<625x16xf32, #tpu.memory_space<hbm>>
      tpu.wait_dma2 semaphore(%run_scoped3A : memref<!tpu.dma_semaphore, #tpu.memory_space<semaphore_mem>>) src(%arg11 : memref<625x16xf32, #tpu.memory_space<vmem>>) dst(%dma_wait3A_34 : memref<625x16xf32, #tpu.memory_space<hbm>>)
      tpu.yield
    }) : () -> ()
    return
  }
}

#map = affine_map<(d0, d1) -> (0, 0)>
#map1 = affine_map<(d0, d1) -> (0)>
#map2 = affine_map<(d0, d1) -> (0, 0, 0)>
module attributes {stable_mosaic.version = 14 : i64} {
  func.func @_sc_deg(%arg0: i32, %arg1: i32, %arg2: memref<32x10000xi32, #tpu.memory_space<hbm>>, %arg3: memref<10000xf32, #tpu.memory_space<hbm>>, %arg4: memref<632xf32, #tpu.memory_space<hbm>>, %arg5: memref<32x1x632xf32, #tpu.memory_space<hbm>>, %arg6: memref<10000xi32, #tpu.memory_space<vmem>>, %arg7: memref<10000xf32, #tpu.memory_space<vmem>>, %arg8: memref<632xf32, #tpu.memory_space<vmem>>, %arg9: memref<10112xf32, #tpu.memory_space<vmem_shared>>) attributes {dimension_semantics = [#tpu.dimension_semantics<core_parallel>, #tpu.dimension_semantics<subcore_parallel>], iteration_bounds = array<i64: 2, 16>, scalar_prefetch = 0 : i64, scratch_operands = 4 : i64, tpu.core_type = #tpu.core_type<sc_vector_subcore>, window_params = [{transform_indices = #map}, {transform_indices = #map1}, {transform_indices = #map1}, {transform_indices = #map2}]} {
    %mul3A = arith.constant 16 : i32
    %mul3A_0 = arith.muli %arg0, %mul3A : i32
    %add3A = arith.addi %mul3A_0, %arg1 : i32
    "tpu.region"() ({
      %run_scoped3A_6 = tpu.sem_alloc : memref<!tpu.dma_semaphore, #tpu.memory_space<semaphore_mem>>
      tpu.enqueue_dma source(%arg4 : memref<632xf32, #tpu.memory_space<hbm>>) target(%arg8 : memref<632xf32, #tpu.memory_space<vmem>>) target_semaphore(%run_scoped3A_6 : memref<!tpu.dma_semaphore, #tpu.memory_space<semaphore_mem>>)
      tpu.wait_dma2 semaphore(%run_scoped3A_6 : memref<!tpu.dma_semaphore, #tpu.memory_space<semaphore_mem>>) src(%arg4 : memref<632xf32, #tpu.memory_space<hbm>>) dst(%arg8 : memref<632xf32, #tpu.memory_space<vmem>>)
      tpu.yield
    }) : () -> ()
    %mul3A_1 = arith.constant 632 : i32
    %mul3A_2 = arith.muli %arg1, %mul3A_1 : i32
    "tpu.region"() ({
      %run_scoped3A_6 = tpu.sem_alloc : memref<!tpu.dma_semaphore, #tpu.memory_space<semaphore_mem>>
      %dma_start3A = tpu.memref_slice %arg9[%mul3A_2] : memref<10112xf32, #tpu.memory_space<vmem_shared>> -> memref<632xf32, #tpu.memory_space<vmem_shared>>
      %dma_start3A_7 = tpu.memref_slice %arg9[%mul3A_2] : memref<10112xf32, #tpu.memory_space<vmem_shared>> -> memref<632xf32, #tpu.memory_space<vmem_shared>>
      tpu.enqueue_dma source(%arg8 : memref<632xf32, #tpu.memory_space<vmem>>) target(%dma_start3A_7 : memref<632xf32, #tpu.memory_space<vmem_shared>>) target_semaphore(%run_scoped3A_6 : memref<!tpu.dma_semaphore, #tpu.memory_space<semaphore_mem>>)
      %dma_wait3A = tpu.memref_slice %arg9[%mul3A_2] : memref<10112xf32, #tpu.memory_space<vmem_shared>> -> memref<632xf32, #tpu.memory_space<vmem_shared>>
      %dma_wait3A_8 = tpu.memref_slice %arg9[%mul3A_2] : memref<10112xf32, #tpu.memory_space<vmem_shared>> -> memref<632xf32, #tpu.memory_space<vmem_shared>>
      tpu.wait_dma2 semaphore(%run_scoped3A_6 : memref<!tpu.dma_semaphore, #tpu.memory_space<semaphore_mem>>) src(%arg8 : memref<632xf32, #tpu.memory_space<vmem>>) dst(%dma_wait3A_8 : memref<632xf32, #tpu.memory_space<vmem_shared>>)
      tpu.yield
    }) : () -> ()
    "tpu.region"() ({
      %run_scoped3A_6 = tpu.sem_alloc : memref<!tpu.dma_semaphore, #tpu.memory_space<semaphore_mem>>
      tpu.enqueue_dma source(%arg3 : memref<10000xf32, #tpu.memory_space<hbm>>) target(%arg7 : memref<10000xf32, #tpu.memory_space<vmem>>) target_semaphore(%run_scoped3A_6 : memref<!tpu.dma_semaphore, #tpu.memory_space<semaphore_mem>>)
      tpu.wait_dma2 semaphore(%run_scoped3A_6 : memref<!tpu.dma_semaphore, #tpu.memory_space<semaphore_mem>>) src(%arg3 : memref<10000xf32, #tpu.memory_space<hbm>>) dst(%arg7 : memref<10000xf32, #tpu.memory_space<vmem>>)
      tpu.yield
    }) : () -> ()
    "tpu.region"() ({
      %run_scoped3A_6 = tpu.sem_alloc : memref<!tpu.dma_semaphore, #tpu.memory_space<semaphore_mem>>
      %dma_start3A = arith.constant 0 : i32
      %dma_start3A_7 = tpu.memref_slice %arg2[%add3A, %dma_start3A] : memref<32x10000xi32, #tpu.memory_space<hbm>> -> memref<1x10000xi32, #tpu.memory_space<hbm>>
      %dma_start3A_8 = tpu.memref_squeeze %dma_start3A_7 : memref<1x10000xi32, #tpu.memory_space<hbm>> -> memref<10000xi32, #tpu.memory_space<hbm>>
      %dma_start3A_9 = arith.constant 0 : i32
      %dma_start3A_10 = tpu.memref_slice %arg2[%add3A, %dma_start3A_9] : memref<32x10000xi32, #tpu.memory_space<hbm>> -> memref<1x10000xi32, #tpu.memory_space<hbm>>
      %dma_start3A_11 = tpu.memref_squeeze %dma_start3A_10 : memref<1x10000xi32, #tpu.memory_space<hbm>> -> memref<10000xi32, #tpu.memory_space<hbm>>
      tpu.enqueue_dma source(%dma_start3A_11 : memref<10000xi32, #tpu.memory_space<hbm>>) target(%arg6 : memref<10000xi32, #tpu.memory_space<vmem>>) target_semaphore(%run_scoped3A_6 : memref<!tpu.dma_semaphore, #tpu.memory_space<semaphore_mem>>)
      %dma_wait3A = arith.constant 0 : i32
      %dma_wait3A_12 = tpu.memref_slice %arg2[%add3A, %dma_wait3A] : memref<32x10000xi32, #tpu.memory_space<hbm>> -> memref<1x10000xi32, #tpu.memory_space<hbm>>
      %dma_wait3A_13 = tpu.memref_squeeze %dma_wait3A_12 : memref<1x10000xi32, #tpu.memory_space<hbm>> -> memref<10000xi32, #tpu.memory_space<hbm>>
      %dma_wait3A_14 = arith.constant 0 : i32
      %dma_wait3A_15 = tpu.memref_slice %arg2[%add3A, %dma_wait3A_14] : memref<32x10000xi32, #tpu.memory_space<hbm>> -> memref<1x10000xi32, #tpu.memory_space<hbm>>
      %dma_wait3A_16 = tpu.memref_squeeze %dma_wait3A_15 : memref<1x10000xi32, #tpu.memory_space<hbm>> -> memref<10000xi32, #tpu.memory_space<hbm>>
      tpu.wait_dma2 semaphore(%run_scoped3A_6 : memref<!tpu.dma_semaphore, #tpu.memory_space<semaphore_mem>>) src(%dma_wait3A_16 : memref<10000xi32, #tpu.memory_space<hbm>>) dst(%arg6 : memref<10000xi32, #tpu.memory_space<vmem>>)
      tpu.yield
    }) : () -> ()
    %barrier3A = arith.constant 0 : index
    tpu.barrier barrier_id(%barrier3A)
    "tpu.region"() ({
      %run_scoped3A_6 = tpu.sem_alloc : memref<!tpu.dma_semaphore, #tpu.memory_space<semaphore_mem>>
      %dma_start3A = arith.constant 0 : i32
      %dma_start3A_7 = tpu.memref_slice %arg9[%dma_start3A] : memref<10112xf32, #tpu.memory_space<vmem_shared>> -> memref<10112xf32, #tpu.memory_space<vmem_shared>>
      tpu.enqueue_indirect_dma source(%arg7 : memref<10000xf32, #tpu.memory_space<vmem>>) target(%dma_start3A_7 : memref<10112xf32, #tpu.memory_space<vmem_shared>>) offsets(%arg6 : memref<10000xi32, #tpu.memory_space<vmem>>) semaphore(%run_scoped3A_6 : memref<!tpu.dma_semaphore, #tpu.memory_space<semaphore_mem>>) {add = true}
      %dma_wait3A = arith.constant 0 : i32
      %dma_wait3A_8 = tpu.memref_slice %arg9[%dma_wait3A] : memref<10112xf32, #tpu.memory_space<vmem_shared>> -> memref<10112xf32, #tpu.memory_space<vmem_shared>>
      tpu.wait_indirect_dma semaphore(%run_scoped3A_6 : memref<!tpu.dma_semaphore, #tpu.memory_space<semaphore_mem>>) src(%arg7 : memref<10000xf32, #tpu.memory_space<vmem>>) dst(%dma_wait3A_8 : memref<10112xf32, #tpu.memory_space<vmem_shared>>)
      tpu.yield
    }) : () -> ()
    %barrier3A_3 = arith.constant 0 : index
    tpu.barrier barrier_id(%barrier3A_3)
    %mul3A_4 = arith.constant 632 : i32
    %mul3A_5 = arith.muli %arg1, %mul3A_4 : i32
    "tpu.region"() ({
      %run_scoped3A_6 = tpu.sem_alloc : memref<!tpu.dma_semaphore, #tpu.memory_space<semaphore_mem>>
      %dma_start3A = tpu.memref_slice %arg9[%mul3A_5] : memref<10112xf32, #tpu.memory_space<vmem_shared>> -> memref<632xf32, #tpu.memory_space<vmem_shared>>
      %dma_start3A_7 = tpu.memref_slice %arg9[%mul3A_5] : memref<10112xf32, #tpu.memory_space<vmem_shared>> -> memref<632xf32, #tpu.memory_space<vmem_shared>>
      tpu.enqueue_dma source(%dma_start3A_7 : memref<632xf32, #tpu.memory_space<vmem_shared>>) target(%arg8 : memref<632xf32, #tpu.memory_space<vmem>>) target_semaphore(%run_scoped3A_6 : memref<!tpu.dma_semaphore, #tpu.memory_space<semaphore_mem>>)
      %dma_wait3A = tpu.memref_slice %arg9[%mul3A_5] : memref<10112xf32, #tpu.memory_space<vmem_shared>> -> memref<632xf32, #tpu.memory_space<vmem_shared>>
      %dma_wait3A_8 = tpu.memref_slice %arg9[%mul3A_5] : memref<10112xf32, #tpu.memory_space<vmem_shared>> -> memref<632xf32, #tpu.memory_space<vmem_shared>>
      tpu.wait_dma2 semaphore(%run_scoped3A_6 : memref<!tpu.dma_semaphore, #tpu.memory_space<semaphore_mem>>) src(%dma_wait3A_8 : memref<632xf32, #tpu.memory_space<vmem_shared>>) dst(%arg8 : memref<632xf32, #tpu.memory_space<vmem>>)
      tpu.yield
    }) : () -> ()
    %run_scoped3A = arith.constant 0 : i32
    "tpu.region"() ({
      %run_scoped3A_6 = tpu.sem_alloc : memref<!tpu.dma_semaphore, #tpu.memory_space<semaphore_mem>>
      %dma_start3A = arith.constant 0 : i32
      %dma_start3A_7 = tpu.memref_slice %arg5[%add3A, %run_scoped3A, %dma_start3A] : memref<32x1x632xf32, #tpu.memory_space<hbm>> -> memref<1x1x632xf32, #tpu.memory_space<hbm>>
      %dma_start3A_8 = tpu.memref_squeeze %dma_start3A_7 : memref<1x1x632xf32, #tpu.memory_space<hbm>> -> memref<632xf32, #tpu.memory_space<hbm>>
      %dma_start3A_9 = arith.constant 0 : i32
      %dma_start3A_10 = tpu.memref_slice %arg5[%add3A, %run_scoped3A, %dma_start3A_9] : memref<32x1x632xf32, #tpu.memory_space<hbm>> -> memref<1x1x632xf32, #tpu.memory_space<hbm>>
      %dma_start3A_11 = tpu.memref_squeeze %dma_start3A_10 : memref<1x1x632xf32, #tpu.memory_space<hbm>> -> memref<632xf32, #tpu.memory_space<hbm>>
      tpu.enqueue_dma source(%arg8 : memref<632xf32, #tpu.memory_space<vmem>>) target(%dma_start3A_11 : memref<632xf32, #tpu.memory_space<hbm>>) target_semaphore(%run_scoped3A_6 : memref<!tpu.dma_semaphore, #tpu.memory_space<semaphore_mem>>)
      %dma_wait3A = arith.constant 0 : i32
      %dma_wait3A_12 = tpu.memref_slice %arg5[%add3A, %run_scoped3A, %dma_wait3A] : memref<32x1x632xf32, #tpu.memory_space<hbm>> -> memref<1x1x632xf32, #tpu.memory_space<hbm>>
      %dma_wait3A_13 = tpu.memref_squeeze %dma_wait3A_12 : memref<1x1x632xf32, #tpu.memory_space<hbm>> -> memref<632xf32, #tpu.memory_space<hbm>>
      %dma_wait3A_14 = arith.constant 0 : i32
      %dma_wait3A_15 = tpu.memref_slice %arg5[%add3A, %run_scoped3A, %dma_wait3A_14] : memref<32x1x632xf32, #tpu.memory_space<hbm>> -> memref<1x1x632xf32, #tpu.memory_space<hbm>>
      %dma_wait3A_16 = tpu.memref_squeeze %dma_wait3A_15 : memref<1x1x632xf32, #tpu.memory_space<hbm>> -> memref<632xf32, #tpu.memory_space<hbm>>
      tpu.wait_dma2 semaphore(%run_scoped3A_6 : memref<!tpu.dma_semaphore, #tpu.memory_space<semaphore_mem>>) src(%arg8 : memref<632xf32, #tpu.memory_space<vmem>>) dst(%dma_wait3A_16 : memref<632xf32, #tpu.memory_space<hbm>>)
      tpu.yield
    }) : () -> ()
    return
  }
}

#map = affine_map<(d0, d1) -> (0, 0)>
#map1 = affine_map<(d0, d1) -> (0, 0, 0)>
module attributes {stable_mosaic.version = 14 : i64} {
  func.func @_sc_msg(%arg0: i32, %arg1: i32, %arg2: memref<10000x16xf32, #tpu.memory_space<hbm>>, %arg3: memref<32x10000xi32, #tpu.memory_space<hbm>>, %arg4: memref<32x10000xi32, #tpu.memory_space<hbm>>, %arg5: memref<625x16xf32, #tpu.memory_space<hbm>>, %arg6: memref<32x625x16xf32, #tpu.memory_space<hbm>>, %arg7: memref<10000xi32, #tpu.memory_space<vmem>>, %arg8: memref<10000xi32, #tpu.memory_space<vmem>>, %arg9: memref<2000x16xf32, #tpu.memory_space<vmem>>, %arg10: memref<2000x16xf32, #tpu.memory_space<vmem>>, %arg11: memref<625x16xf32, #tpu.memory_space<vmem>>, %arg12: memref<10000x16xf32, #tpu.memory_space<vmem_shared>>, %arg13: memref<!tpu.dma_semaphore, #tpu.memory_space<semaphore_mem>>, %arg14: memref<!tpu.dma_semaphore, #tpu.memory_space<semaphore_mem>>) attributes {dimension_semantics = [#tpu.dimension_semantics<core_parallel>, #tpu.dimension_semantics<subcore_parallel>], iteration_bounds = array<i64: 2, 16>, scalar_prefetch = 0 : i64, scratch_operands = 8 : i64, tpu.core_type = #tpu.core_type<sc_vector_subcore>, window_params = [{transform_indices = #map}, {transform_indices = #map}, {transform_indices = #map}, {transform_indices = #map}, {transform_indices = #map1}]} {
    %mul3A = arith.constant 16 : i32
    %mul3A_0 = arith.muli %arg0, %mul3A : i32
    %add3A = arith.addi %mul3A_0, %arg1 : i32
    "tpu.region"() ({
      %run_scoped3A = tpu.sem_alloc : memref<!tpu.dma_semaphore, #tpu.memory_space<semaphore_mem>>
      tpu.enqueue_dma source(%arg5 : memref<625x16xf32, #tpu.memory_space<hbm>>) target(%arg11 : memref<625x16xf32, #tpu.memory_space<vmem>>) target_semaphore(%run_scoped3A : memref<!tpu.dma_semaphore, #tpu.memory_space<semaphore_mem>>)
      tpu.wait_dma2 semaphore(%run_scoped3A : memref<!tpu.dma_semaphore, #tpu.memory_space<semaphore_mem>>) src(%arg5 : memref<625x16xf32, #tpu.memory_space<hbm>>) dst(%arg11 : memref<625x16xf32, #tpu.memory_space<vmem>>)
      tpu.yield
    }) : () -> ()
    %mul3A_1 = arith.constant 625 : i32
    %mul3A_2 = arith.muli %arg1, %mul3A_1 : i32
    "tpu.region"() ({
      %run_scoped3A = tpu.sem_alloc : memref<!tpu.dma_semaphore, #tpu.memory_space<semaphore_mem>>
      %dma_start3A_19 = arith.constant 0 : i32
      %dma_start3A_20 = tpu.memref_slice %arg12[%mul3A_2, %dma_start3A_19] : memref<10000x16xf32, #tpu.memory_space<vmem_shared>> -> memref<625x16xf32, #tpu.memory_space<vmem_shared>>
      %dma_start3A_21 = arith.constant 0 : i32
      %dma_start3A_22 = tpu.memref_slice %arg12[%mul3A_2, %dma_start3A_21] : memref<10000x16xf32, #tpu.memory_space<vmem_shared>> -> memref<625x16xf32, #tpu.memory_space<vmem_shared>>
      tpu.enqueue_dma source(%arg11 : memref<625x16xf32, #tpu.memory_space<vmem>>) target(%dma_start3A_22 : memref<625x16xf32, #tpu.memory_space<vmem_shared>>) target_semaphore(%run_scoped3A : memref<!tpu.dma_semaphore, #tpu.memory_space<semaphore_mem>>)
      %dma_wait3A_23 = arith.constant 0 : i32
      %dma_wait3A_24 = tpu.memref_slice %arg12[%mul3A_2, %dma_wait3A_23] : memref<10000x16xf32, #tpu.memory_space<vmem_shared>> -> memref<625x16xf32, #tpu.memory_space<vmem_shared>>
      %dma_wait3A_25 = arith.constant 0 : i32
      %dma_wait3A_26 = tpu.memref_slice %arg12[%mul3A_2, %dma_wait3A_25] : memref<10000x16xf32, #tpu.memory_space<vmem_shared>> -> memref<625x16xf32, #tpu.memory_space<vmem_shared>>
      tpu.wait_dma2 semaphore(%run_scoped3A : memref<!tpu.dma_semaphore, #tpu.memory_space<semaphore_mem>>) src(%arg11 : memref<625x16xf32, #tpu.memory_space<vmem>>) dst(%dma_wait3A_26 : memref<625x16xf32, #tpu.memory_space<vmem_shared>>)
      tpu.yield
    }) : () -> ()
    "tpu.region"() ({
      %run_scoped3A = tpu.sem_alloc : memref<!tpu.dma_semaphore, #tpu.memory_space<semaphore_mem>>
      %dma_start3A_19 = arith.constant 0 : i32
      %dma_start3A_20 = tpu.memref_slice %arg3[%add3A, %dma_start3A_19] : memref<32x10000xi32, #tpu.memory_space<hbm>> -> memref<1x10000xi32, #tpu.memory_space<hbm>>
      %dma_start3A_21 = tpu.memref_squeeze %dma_start3A_20 : memref<1x10000xi32, #tpu.memory_space<hbm>> -> memref<10000xi32, #tpu.memory_space<hbm>>
      %dma_start3A_22 = arith.constant 0 : i32
      %dma_start3A_23 = tpu.memref_slice %arg3[%add3A, %dma_start3A_22] : memref<32x10000xi32, #tpu.memory_space<hbm>> -> memref<1x10000xi32, #tpu.memory_space<hbm>>
      %dma_start3A_24 = tpu.memref_squeeze %dma_start3A_23 : memref<1x10000xi32, #tpu.memory_space<hbm>> -> memref<10000xi32, #tpu.memory_space<hbm>>
      tpu.enqueue_dma source(%dma_start3A_24 : memref<10000xi32, #tpu.memory_space<hbm>>) target(%arg7 : memref<10000xi32, #tpu.memory_space<vmem>>) target_semaphore(%run_scoped3A : memref<!tpu.dma_semaphore, #tpu.memory_space<semaphore_mem>>)
      %dma_wait3A_25 = arith.constant 0 : i32
      %dma_wait3A_26 = tpu.memref_slice %arg3[%add3A, %dma_wait3A_25] : memref<32x10000xi32, #tpu.memory_space<hbm>> -> memref<1x10000xi32, #tpu.memory_space<hbm>>
      %dma_wait3A_27 = tpu.memref_squeeze %dma_wait3A_26 : memref<1x10000xi32, #tpu.memory_space<hbm>> -> memref<10000xi32, #tpu.memory_space<hbm>>
      %dma_wait3A_28 = arith.constant 0 : i32
      %dma_wait3A_29 = tpu.memref_slice %arg3[%add3A, %dma_wait3A_28] : memref<32x10000xi32, #tpu.memory_space<hbm>> -> memref<1x10000xi32, #tpu.memory_space<hbm>>
      %dma_wait3A_30 = tpu.memref_squeeze %dma_wait3A_29 : memref<1x10000xi32, #tpu.memory_space<hbm>> -> memref<10000xi32, #tpu.memory_space<hbm>>
      tpu.wait_dma2 semaphore(%run_scoped3A : memref<!tpu.dma_semaphore, #tpu.memory_space<semaphore_mem>>) src(%dma_wait3A_30 : memref<10000xi32, #tpu.memory_space<hbm>>) dst(%arg7 : memref<10000xi32, #tpu.memory_space<vmem>>)
      tpu.yield
    }) : () -> ()
    "tpu.region"() ({
      %run_scoped3A = tpu.sem_alloc : memref<!tpu.dma_semaphore, #tpu.memory_space<semaphore_mem>>
      %dma_start3A_19 = arith.constant 0 : i32
      %dma_start3A_20 = tpu.memref_slice %arg4[%add3A, %dma_start3A_19] : memref<32x10000xi32, #tpu.memory_space<hbm>> -> memref<1x10000xi32, #tpu.memory_space<hbm>>
      %dma_start3A_21 = tpu.memref_squeeze %dma_start3A_20 : memref<1x10000xi32, #tpu.memory_space<hbm>> -> memref<10000xi32, #tpu.memory_space<hbm>>
      %dma_start3A_22 = arith.constant 0 : i32
      %dma_start3A_23 = tpu.memref_slice %arg4[%add3A, %dma_start3A_22] : memref<32x10000xi32, #tpu.memory_space<hbm>> -> memref<1x10000xi32, #tpu.memory_space<hbm>>
      %dma_start3A_24 = tpu.memref_squeeze %dma_start3A_23 : memref<1x10000xi32, #tpu.memory_space<hbm>> -> memref<10000xi32, #tpu.memory_space<hbm>>
      tpu.enqueue_dma source(%dma_start3A_24 : memref<10000xi32, #tpu.memory_space<hbm>>) target(%arg8 : memref<10000xi32, #tpu.memory_space<vmem>>) target_semaphore(%run_scoped3A : memref<!tpu.dma_semaphore, #tpu.memory_space<semaphore_mem>>)
      %dma_wait3A_25 = arith.constant 0 : i32
      %dma_wait3A_26 = tpu.memref_slice %arg4[%add3A, %dma_wait3A_25] : memref<32x10000xi32, #tpu.memory_space<hbm>> -> memref<1x10000xi32, #tpu.memory_space<hbm>>
      %dma_wait3A_27 = tpu.memref_squeeze %dma_wait3A_26 : memref<1x10000xi32, #tpu.memory_space<hbm>> -> memref<10000xi32, #tpu.memory_space<hbm>>
      %dma_wait3A_28 = arith.constant 0 : i32
      %dma_wait3A_29 = tpu.memref_slice %arg4[%add3A, %dma_wait3A_28] : memref<32x10000xi32, #tpu.memory_space<hbm>> -> memref<1x10000xi32, #tpu.memory_space<hbm>>
      %dma_wait3A_30 = tpu.memref_squeeze %dma_wait3A_29 : memref<1x10000xi32, #tpu.memory_space<hbm>> -> memref<10000xi32, #tpu.memory_space<hbm>>
      tpu.wait_dma2 semaphore(%run_scoped3A : memref<!tpu.dma_semaphore, #tpu.memory_space<semaphore_mem>>) src(%dma_wait3A_30 : memref<10000xi32, #tpu.memory_space<hbm>>) dst(%arg8 : memref<10000xi32, #tpu.memory_space<vmem>>)
      tpu.yield
    }) : () -> ()
    %barrier3A = arith.constant 0 : index
    tpu.barrier barrier_id(%barrier3A)
    %dma_start3A = arith.constant 0 : i32
    %dma_start3A_3 = tpu.memref_slice %arg7[%dma_start3A] : memref<10000xi32, #tpu.memory_space<vmem>> -> memref<2000xi32, #tpu.memory_space<vmem>>
    %dma_start3A_4 = arith.constant 0 : i32
    %dma_start3A_5 = arith.constant 0 : i32
    %dma_start3A_6 = tpu.memref_slice %arg2[%dma_start3A_4, %dma_start3A_5] : memref<10000x16xf32, #tpu.memory_space<hbm>> -> memref<10000x16xf32, #tpu.memory_space<hbm>>
    tpu.enqueue_indirect_dma source(%dma_start3A_6 : memref<10000x16xf32, #tpu.memory_space<hbm>>) target(%arg9 : memref<2000x16xf32, #tpu.memory_space<vmem>>) offsets(%dma_start3A_3 : memref<2000xi32, #tpu.memory_space<vmem>>) semaphore(%arg13 : memref<!tpu.dma_semaphore, #tpu.memory_space<semaphore_mem>>)
    %dma_wait3A = arith.constant 0 : i32
    %dma_wait3A_7 = tpu.memref_slice %arg7[%dma_wait3A] : memref<10000xi32, #tpu.memory_space<vmem>> -> memref<2000xi32, #tpu.memory_space<vmem>>
    %dma_wait3A_8 = arith.constant 0 : i32
    %dma_wait3A_9 = arith.constant 0 : i32
    %dma_wait3A_10 = tpu.memref_slice %arg2[%dma_wait3A_8, %dma_wait3A_9] : memref<10000x16xf32, #tpu.memory_space<hbm>> -> memref<10000x16xf32, #tpu.memory_space<hbm>>
    tpu.wait_indirect_dma semaphore(%arg13 : memref<!tpu.dma_semaphore, #tpu.memory_space<semaphore_mem>>) src(%dma_wait3A_10 : memref<10000x16xf32, #tpu.memory_space<hbm>>) dst(%arg9 : memref<2000x16xf32, #tpu.memory_space<vmem>>)
    %scan3A = arith.constant 0 : i32
    %scan3A_11 = arith.constant 0 : i32
    %scan3A_12 = arith.constant 2 : i32
    %scan3A_13 = arith.addi %scan3A_11, %scan3A_12 : i32
    %scan3A_14 = arith.constant 1 : i32
    scf.for %scan3A_19 = %scan3A_11 to %scan3A_13 step %scan3A_14  : i32 {
      %mul3A_20 = arith.constant 2 : i32
      %mul3A_21 = arith.muli %mul3A_20, %scan3A_19 : i32
      %add3A_22 = arith.constant 1 : i32
      %add3A_23 = arith.addi %mul3A_21, %add3A_22 : i32
      %mul3A_24 = arith.constant 2000 : i32
      %mul3A_25 = arith.muli %add3A_23, %mul3A_24 : i32
      %dma_start3A_26 = tpu.memref_slice %arg7[%mul3A_25] : memref<10000xi32, #tpu.memory_space<vmem>> -> memref<2000xi32, #tpu.memory_space<vmem>>
      %dma_start3A_27 = arith.constant 0 : i32
      %dma_start3A_28 = arith.constant 0 : i32
      %dma_start3A_29 = tpu.memref_slice %arg2[%dma_start3A_27, %dma_start3A_28] : memref<10000x16xf32, #tpu.memory_space<hbm>> -> memref<10000x16xf32, #tpu.memory_space<hbm>>
      tpu.enqueue_indirect_dma source(%dma_start3A_29 : memref<10000x16xf32, #tpu.memory_space<hbm>>) target(%arg10 : memref<2000x16xf32, #tpu.memory_space<vmem>>) offsets(%dma_start3A_26 : memref<2000xi32, #tpu.memory_space<vmem>>) semaphore(%arg14 : memref<!tpu.dma_semaphore, #tpu.memory_space<semaphore_mem>>)
      %mul3A_30 = arith.constant 2 : i32
      %mul3A_31 = arith.muli %mul3A_30, %scan3A_19 : i32
      %mul3A_32 = arith.constant 2000 : i32
      %mul3A_33 = arith.muli %mul3A_31, %mul3A_32 : i32
      "tpu.region"() ({
        %run_scoped3A = tpu.sem_alloc : memref<!tpu.dma_semaphore, #tpu.memory_space<semaphore_mem>>
        %dma_start3A_58 = tpu.memref_slice %arg8[%mul3A_33] : memref<10000xi32, #tpu.memory_space<vmem>> -> memref<2000xi32, #tpu.memory_space<vmem>>
        %dma_start3A_59 = arith.constant 0 : i32
        %dma_start3A_60 = arith.constant 0 : i32
        %dma_start3A_61 = tpu.memref_slice %arg12[%dma_start3A_59, %dma_start3A_60] : memref<10000x16xf32, #tpu.memory_space<vmem_shared>> -> memref<10000x16xf32, #tpu.memory_space<vmem_shared>>
        tpu.enqueue_indirect_dma source(%arg9 : memref<2000x16xf32, #tpu.memory_space<vmem>>) target(%dma_start3A_61 : memref<10000x16xf32, #tpu.memory_space<vmem_shared>>) offsets(%dma_start3A_58 : memref<2000xi32, #tpu.memory_space<vmem>>) semaphore(%run_scoped3A : memref<!tpu.dma_semaphore, #tpu.memory_space<semaphore_mem>>) {add = true}
        %dma_wait3A_62 = tpu.memref_slice %arg8[%mul3A_33] : memref<10000xi32, #tpu.memory_space<vmem>> -> memref<2000xi32, #tpu.memory_space<vmem>>
        %dma_wait3A_63 = arith.constant 0 : i32
        %dma_wait3A_64 = arith.constant 0 : i32
        %dma_wait3A_65 = tpu.memref_slice %arg12[%dma_wait3A_63, %dma_wait3A_64] : memref<10000x16xf32, #tpu.memory_space<vmem_shared>> -> memref<10000x16xf32, #tpu.memory_space<vmem_shared>>
        tpu.wait_indirect_dma semaphore(%run_scoped3A : memref<!tpu.dma_semaphore, #tpu.memory_space<semaphore_mem>>) src(%arg9 : memref<2000x16xf32, #tpu.memory_space<vmem>>) dst(%dma_wait3A_65 : memref<10000x16xf32, #tpu.memory_space<vmem_shared>>)
        tpu.yield
      }) : () -> ()
      %dma_wait3A_34 = tpu.memref_slice %arg7[%mul3A_25] : memref<10000xi32, #tpu.memory_space<vmem>> -> memref<2000xi32, #tpu.memory_space<vmem>>
      %dma_wait3A_35 = arith.constant 0 : i32
      %dma_wait3A_36 = arith.constant 0 : i32
      %dma_wait3A_37 = tpu.memref_slice %arg2[%dma_wait3A_35, %dma_wait3A_36] : memref<10000x16xf32, #tpu.memory_space<hbm>> -> memref<10000x16xf32, #tpu.memory_space<hbm>>
      tpu.wait_indirect_dma semaphore(%arg14 : memref<!tpu.dma_semaphore, #tpu.memory_space<semaphore_mem>>) src(%dma_wait3A_37 : memref<10000x16xf32, #tpu.memory_space<hbm>>) dst(%arg10 : memref<2000x16xf32, #tpu.memory_space<vmem>>)
      %mul3A_38 = arith.constant 2 : i32
      %mul3A_39 = arith.muli %mul3A_38, %scan3A_19 : i32
      %add3A_40 = arith.constant 2 : i32
      %add3A_41 = arith.addi %mul3A_39, %add3A_40 : i32
      %mul3A_42 = arith.constant 2000 : i32
      %mul3A_43 = arith.muli %add3A_41, %mul3A_42 : i32
      %dma_start3A_44 = tpu.memref_slice %arg7[%mul3A_43] : memref<10000xi32, #tpu.memory_space<vmem>> -> memref<2000xi32, #tpu.memory_space<vmem>>
      %dma_start3A_45 = arith.constant 0 : i32
      %dma_start3A_46 = arith.constant 0 : i32
      %dma_start3A_47 = tpu.memref_slice %arg2[%dma_start3A_45, %dma_start3A_46] : memref<10000x16xf32, #tpu.memory_space<hbm>> -> memref<10000x16xf32, #tpu.memory_space<hbm>>
      tpu.enqueue_indirect_dma source(%dma_start3A_47 : memref<10000x16xf32, #tpu.memory_space<hbm>>) target(%arg9 : memref<2000x16xf32, #tpu.memory_space<vmem>>) offsets(%dma_start3A_44 : memref<2000xi32, #tpu.memory_space<vmem>>) semaphore(%arg13 : memref<!tpu.dma_semaphore, #tpu.memory_space<semaphore_mem>>)
      %mul3A_48 = arith.constant 2 : i32
      %mul3A_49 = arith.muli %mul3A_48, %scan3A_19 : i32
      %add3A_50 = arith.constant 1 : i32
      %add3A_51 = arith.addi %mul3A_49, %add3A_50 : i32
      %mul3A_52 = arith.constant 2000 : i32
      %mul3A_53 = arith.muli %add3A_51, %mul3A_52 : i32
      "tpu.region"() ({
        %run_scoped3A = tpu.sem_alloc : memref<!tpu.dma_semaphore, #tpu.memory_space<semaphore_mem>>
        %dma_start3A_58 = tpu.memref_slice %arg8[%mul3A_53] : memref<10000xi32, #tpu.memory_space<vmem>> -> memref<2000xi32, #tpu.memory_space<vmem>>
        %dma_start3A_59 = arith.constant 0 : i32
        %dma_start3A_60 = arith.constant 0 : i32
        %dma_start3A_61 = tpu.memref_slice %arg12[%dma_start3A_59, %dma_start3A_60] : memref<10000x16xf32, #tpu.memory_space<vmem_shared>> -> memref<10000x16xf32, #tpu.memory_space<vmem_shared>>
        tpu.enqueue_indirect_dma source(%arg10 : memref<2000x16xf32, #tpu.memory_space<vmem>>) target(%dma_start3A_61 : memref<10000x16xf32, #tpu.memory_space<vmem_shared>>) offsets(%dma_start3A_58 : memref<2000xi32, #tpu.memory_space<vmem>>) semaphore(%run_scoped3A : memref<!tpu.dma_semaphore, #tpu.memory_space<semaphore_mem>>) {add = true}
        %dma_wait3A_62 = tpu.memref_slice %arg8[%mul3A_53] : memref<10000xi32, #tpu.memory_space<vmem>> -> memref<2000xi32, #tpu.memory_space<vmem>>
        %dma_wait3A_63 = arith.constant 0 : i32
        %dma_wait3A_64 = arith.constant 0 : i32
        %dma_wait3A_65 = tpu.memref_slice %arg12[%dma_wait3A_63, %dma_wait3A_64] : memref<10000x16xf32, #tpu.memory_space<vmem_shared>> -> memref<10000x16xf32, #tpu.memory_space<vmem_shared>>
        tpu.wait_indirect_dma semaphore(%run_scoped3A : memref<!tpu.dma_semaphore, #tpu.memory_space<semaphore_mem>>) src(%arg10 : memref<2000x16xf32, #tpu.memory_space<vmem>>) dst(%dma_wait3A_65 : memref<10000x16xf32, #tpu.memory_space<vmem_shared>>)
        tpu.yield
      }) : () -> ()
      %dma_wait3A_54 = tpu.memref_slice %arg7[%mul3A_43] : memref<10000xi32, #tpu.memory_space<vmem>> -> memref<2000xi32, #tpu.memory_space<vmem>>
      %dma_wait3A_55 = arith.constant 0 : i32
      %dma_wait3A_56 = arith.constant 0 : i32
      %dma_wait3A_57 = tpu.memref_slice %arg2[%dma_wait3A_55, %dma_wait3A_56] : memref<10000x16xf32, #tpu.memory_space<hbm>> -> memref<10000x16xf32, #tpu.memory_space<hbm>>
      tpu.wait_indirect_dma semaphore(%arg13 : memref<!tpu.dma_semaphore, #tpu.memory_space<semaphore_mem>>) src(%dma_wait3A_57 : memref<10000x16xf32, #tpu.memory_space<hbm>>) dst(%arg9 : memref<2000x16xf32, #tpu.memory_space<vmem>>)
    }
    %scan3A_15 = arith.constant 2 : i32
    "tpu.region"() ({
      %run_scoped3A = tpu.sem_alloc : memref<!tpu.dma_semaphore, #tpu.memory_space<semaphore_mem>>
      %dma_start3A_19 = arith.constant 8000 : i32
      %dma_start3A_20 = tpu.memref_slice %arg8[%dma_start3A_19] : memref<10000xi32, #tpu.memory_space<vmem>> -> memref<2000xi32, #tpu.memory_space<vmem>>
      %dma_start3A_21 = arith.constant 0 : i32
      %dma_start3A_22 = arith.constant 0 : i32
      %dma_start3A_23 = tpu.memref_slice %arg12[%dma_start3A_21, %dma_start3A_22] : memref<10000x16xf32, #tpu.memory_space<vmem_shared>> -> memref<10000x16xf32, #tpu.memory_space<vmem_shared>>
      tpu.enqueue_indirect_dma source(%arg9 : memref<2000x16xf32, #tpu.memory_space<vmem>>) target(%dma_start3A_23 : memref<10000x16xf32, #tpu.memory_space<vmem_shared>>) offsets(%dma_start3A_20 : memref<2000xi32, #tpu.memory_space<vmem>>) semaphore(%run_scoped3A : memref<!tpu.dma_semaphore, #tpu.memory_space<semaphore_mem>>) {add = true}
      %dma_wait3A_24 = arith.constant 8000 : i32
      %dma_wait3A_25 = tpu.memref_slice %arg8[%dma_wait3A_24] : memref<10000xi32, #tpu.memory_space<vmem>> -> memref<2000xi32, #tpu.memory_space<vmem>>
      %dma_wait3A_26 = arith.constant 0 : i32
      %dma_wait3A_27 = arith.constant 0 : i32
      %dma_wait3A_28 = tpu.memref_slice %arg12[%dma_wait3A_26, %dma_wait3A_27] : memref<10000x16xf32, #tpu.memory_space<vmem_shared>> -> memref<10000x16xf32, #tpu.memory_space<vmem_shared>>
      tpu.wait_indirect_dma semaphore(%run_scoped3A : memref<!tpu.dma_semaphore, #tpu.memory_space<semaphore_mem>>) src(%arg9 : memref<2000x16xf32, #tpu.memory_space<vmem>>) dst(%dma_wait3A_28 : memref<10000x16xf32, #tpu.memory_space<vmem_shared>>)
      tpu.yield
    }) : () -> ()
    %barrier3A_16 = arith.constant 0 : index
    tpu.barrier barrier_id(%barrier3A_16)
    %mul3A_17 = arith.constant 625 : i32
    %mul3A_18 = arith.muli %arg1, %mul3A_17 : i32
    "tpu.region"() ({
      %run_scoped3A = tpu.sem_alloc : memref<!tpu.dma_semaphore, #tpu.memory_space<semaphore_mem>>
      %dma_start3A_19 = arith.constant 0 : i32
      %dma_start3A_20 = tpu.memref_slice %arg12[%mul3A_18, %dma_start3A_19] : memref<10000x16xf32, #tpu.memory_space<vmem_shared>> -> memref<625x16xf32, #tpu.memory_space<vmem_shared>>
      %dma_start3A_21 = arith.constant 0 : i32
      %dma_start3A_22 = tpu.memref_slice %arg12[%mul3A_18, %dma_start3A_21] : memref<10000x16xf32, #tpu.memory_space<vmem_shared>> -> memref<625x16xf32, #tpu.memory_space<vmem_shared>>
      tpu.enqueue_dma source(%dma_start3A_22 : memref<625x16xf32, #tpu.memory_space<vmem_shared>>) target(%arg11 : memref<625x16xf32, #tpu.memory_space<vmem>>) target_semaphore(%run_scoped3A : memref<!tpu.dma_semaphore, #tpu.memory_space<semaphore_mem>>)
      %dma_wait3A_23 = arith.constant 0 : i32
      %dma_wait3A_24 = tpu.memref_slice %arg12[%mul3A_18, %dma_wait3A_23] : memref<10000x16xf32, #tpu.memory_space<vmem_shared>> -> memref<625x16xf32, #tpu.memory_space<vmem_shared>>
      %dma_wait3A_25 = arith.constant 0 : i32
      %dma_wait3A_26 = tpu.memref_slice %arg12[%mul3A_18, %dma_wait3A_25] : memref<10000x16xf32, #tpu.memory_space<vmem_shared>> -> memref<625x16xf32, #tpu.memory_space<vmem_shared>>
      tpu.wait_dma2 semaphore(%run_scoped3A : memref<!tpu.dma_semaphore, #tpu.memory_space<semaphore_mem>>) src(%dma_wait3A_26 : memref<625x16xf32, #tpu.memory_space<vmem_shared>>) dst(%arg11 : memref<625x16xf32, #tpu.memory_space<vmem>>)
      tpu.yield
    }) : () -> ()
    "tpu.region"() ({
      %run_scoped3A = tpu.sem_alloc : memref<!tpu.dma_semaphore, #tpu.memory_space<semaphore_mem>>
      %dma_start3A_19 = arith.constant 0 : i32
      %dma_start3A_20 = arith.constant 0 : i32
      %dma_start3A_21 = tpu.memref_slice %arg6[%add3A, %dma_start3A_19, %dma_start3A_20] : memref<32x625x16xf32, #tpu.memory_space<hbm>> -> memref<1x625x16xf32, #tpu.memory_space<hbm>>
      %dma_start3A_22 = tpu.memref_squeeze %dma_start3A_21 : memref<1x625x16xf32, #tpu.memory_space<hbm>> -> memref<625x16xf32, #tpu.memory_space<hbm>>
      %dma_start3A_23 = arith.constant 0 : i32
      %dma_start3A_24 = arith.constant 0 : i32
      %dma_start3A_25 = tpu.memref_slice %arg6[%add3A, %dma_start3A_23, %dma_start3A_24] : memref<32x625x16xf32, #tpu.memory_space<hbm>> -> memref<1x625x16xf32, #tpu.memory_space<hbm>>
      %dma_start3A_26 = tpu.memref_squeeze %dma_start3A_25 : memref<1x625x16xf32, #tpu.memory_space<hbm>> -> memref<625x16xf32, #tpu.memory_space<hbm>>
      tpu.enqueue_dma source(%arg11 : memref<625x16xf32, #tpu.memory_space<vmem>>) target(%dma_start3A_26 : memref<625x16xf32, #tpu.memory_space<hbm>>) target_semaphore(%run_scoped3A : memref<!tpu.dma_semaphore, #tpu.memory_space<semaphore_mem>>)
      %dma_wait3A_27 = arith.constant 0 : i32
      %dma_wait3A_28 = arith.constant 0 : i32
      %dma_wait3A_29 = tpu.memref_slice %arg6[%add3A, %dma_wait3A_27, %dma_wait3A_28] : memref<32x625x16xf32, #tpu.memory_space<hbm>> -> memref<1x625x16xf32, #tpu.memory_space<hbm>>
      %dma_wait3A_30 = tpu.memref_squeeze %dma_wait3A_29 : memref<1x625x16xf32, #tpu.memory_space<hbm>> -> memref<625x16xf32, #tpu.memory_space<hbm>>
      %dma_wait3A_31 = arith.constant 0 : i32
      %dma_wait3A_32 = arith.constant 0 : i32
      %dma_wait3A_33 = tpu.memref_slice %arg6[%add3A, %dma_wait3A_31, %dma_wait3A_32] : memref<32x625x16xf32, #tpu.memory_space<hbm>> -> memref<1x625x16xf32, #tpu.memory_space<hbm>>
      %dma_wait3A_34 = tpu.memref_squeeze %dma_wait3A_33 : memref<1x625x16xf32, #tpu.memory_space<hbm>> -> memref<625x16xf32, #tpu.memory_space<hbm>>
      tpu.wait_dma2 semaphore(%run_scoped3A : memref<!tpu.dma_semaphore, #tpu.memory_space<semaphore_mem>>) src(%arg11 : memref<625x16xf32, #tpu.memory_space<vmem>>) dst(%dma_wait3A_34 : memref<625x16xf32, #tpu.memory_space<hbm>>)
      tpu.yield
    }) : () -> ()
    return
  }
}

module attributes {stable_mosaic.version = 14 : i64} {
  func.func @_tc_a_body(%arg0: memref<10000x128xf32, #tpu.memory_space<vmem>>, %arg1: memref<128x16xf32, #tpu.memory_space<vmem>>, %arg2: memref<2x10000x1xf32, #tpu.memory_space<vmem>>, %arg3: memref<10000x16xf32, #tpu.memory_space<vmem>>, %arg4: memref<10000x1xf32, #tpu.memory_space<vmem>>) attributes {dimension_semantics = [], scalar_prefetch = 0 : i64, scratch_operands = 0 : i64, tpu.core_type = #tpu.core_type<tc>} {
    %get3A = arith.constant 0 : index
    %get3A_0 = arith.constant 0 : index
    %get3A_1 = arith.constant 0 : index
    %get3A_2 = vector.load %arg2[%get3A, %get3A_0, %get3A_1] : memref<2x10000x1xf32, #tpu.memory_space<vmem>>, vector<1x10000x1xf32>
    %get3A_3 = vector.shape_cast %get3A_2 : vector<1x10000x1xf32> to vector<10000x1xf32>
    %get3A_4 = arith.constant 1 : index
    %get3A_5 = arith.constant 0 : index
    %get3A_6 = arith.constant 0 : index
    %get3A_7 = vector.load %arg2[%get3A_4, %get3A_5, %get3A_6] : memref<2x10000x1xf32, #tpu.memory_space<vmem>>, vector<1x10000x1xf32>
    %get3A_8 = vector.shape_cast %get3A_7 : vector<1x10000x1xf32> to vector<10000x1xf32>
    %add3A = arith.addf %get3A_3, %get3A_8 : vector<10000x1xf32>
    %add3A_9 = arith.constant 1.000000e+00 : f32
    %add3A_10 = vector.broadcast %add3A_9 : f32 to vector<10000x1xf32>
    %add3A_11 = arith.addf %add3A, %add3A_10 : vector<10000x1xf32>
    %rsqrt3A = math.rsqrt %add3A_11 : vector<10000x1xf32>
    %get3A_12 = arith.constant 0 : index
    %get3A_13 = arith.constant 0 : index
    %get3A_14 = vector.load %arg0[%get3A_12, %get3A_13] : memref<10000x128xf32, #tpu.memory_space<vmem>>, vector<10000x128xf32>
    %get3A_15 = arith.constant 0 : index
    %get3A_16 = arith.constant 0 : index
    %get3A_17 = vector.load %arg1[%get3A_15, %get3A_16] : memref<128x16xf32, #tpu.memory_space<vmem>>, vector<128x16xf32>
    %dot_general3A = arith.constant dense<0.000000e+00> : vector<10000x16xf32>
    %dot_general3A_18 = tpu.matmul %get3A_14, %get3A_17, %dot_general3A {dimension_numbers = #tpu.dot_dimension_numbers<[1], [0], [0], [1], [0, 0, 1, 1], [], []>, transpose_lhs_hint = false} : vector<10000x128xf32>, vector<128x16xf32>, vector<10000x16xf32> -> vector<10000x16xf32>
    %mul3A = vector.broadcast %rsqrt3A : vector<10000x1xf32> to vector<10000x16xf32>
    %mul3A_19 = arith.mulf %dot_general3A_18, %mul3A : vector<10000x16xf32>
    %swap3A = arith.constant 0 : index
    %swap3A_20 = arith.constant 0 : index
    %swap3A_21 = vector.load %arg3[%swap3A, %swap3A_20] : memref<10000x16xf32, #tpu.memory_space<vmem>>, vector<10000x16xf32>
    tpu.vector_store %arg3[%swap3A, %swap3A_20], %mul3A_19 {strides = array<i32>} : memref<10000x16xf32, #tpu.memory_space<vmem>>, vector<10000x16xf32>,
    %swap3A_22 = arith.constant 0 : index
    %swap3A_23 = arith.constant 0 : index
    %swap3A_24 = vector.load %arg4[%swap3A_22, %swap3A_23] : memref<10000x1xf32, #tpu.memory_space<vmem>>, vector<10000x1xf32>
    tpu.vector_store %arg4[%swap3A_22, %swap3A_23], %rsqrt3A {strides = array<i32>} : memref<10000x1xf32, #tpu.memory_space<vmem>>, vector<10000x1xf32>,
    return
  }
}

module attributes {stable_mosaic.version = 14 : i64} {
  func.func @_tc_b_body(%arg0: memref<2x10000x16xf32, #tpu.memory_space<vmem>>, %arg1: memref<10000x16xf32, #tpu.memory_space<vmem>>, %arg2: memref<10000x1xf32, #tpu.memory_space<vmem>>, %arg3: memref<16x16xf32, #tpu.memory_space<vmem>>, %arg4: memref<10000x16xf32, #tpu.memory_space<vmem>>) attributes {dimension_semantics = [], scalar_prefetch = 0 : i64, scratch_operands = 0 : i64, tpu.core_type = #tpu.core_type<tc>} {
    %get3A = arith.constant 0 : index
    %get3A_0 = arith.constant 0 : index
    %get3A_1 = vector.load %arg2[%get3A, %get3A_0] : memref<10000x1xf32, #tpu.memory_space<vmem>>, vector<10000x1xf32>
    %get3A_2 = arith.constant 0 : index
    %get3A_3 = arith.constant 0 : index
    %get3A_4 = arith.constant 0 : index
    %get3A_5 = vector.load %arg0[%get3A_2, %get3A_3, %get3A_4] : memref<2x10000x16xf32, #tpu.memory_space<vmem>>, vector<1x10000x16xf32>
    %get3A_6 = vector.shape_cast %get3A_5 : vector<1x10000x16xf32> to vector<10000x16xf32>
    %get3A_7 = arith.constant 1 : index
    %get3A_8 = arith.constant 0 : index
    %get3A_9 = arith.constant 0 : index
    %get3A_10 = vector.load %arg0[%get3A_7, %get3A_8, %get3A_9] : memref<2x10000x16xf32, #tpu.memory_space<vmem>>, vector<1x10000x16xf32>
    %get3A_11 = vector.shape_cast %get3A_10 : vector<1x10000x16xf32> to vector<10000x16xf32>
    %add3A = arith.addf %get3A_6, %get3A_11 : vector<10000x16xf32>
    %get3A_12 = arith.constant 0 : index
    %get3A_13 = arith.constant 0 : index
    %get3A_14 = vector.load %arg1[%get3A_12, %get3A_13] : memref<10000x16xf32, #tpu.memory_space<vmem>>, vector<10000x16xf32>
    %add3A_15 = arith.addf %add3A, %get3A_14 : vector<10000x16xf32>
    %mul3A = vector.broadcast %get3A_1 : vector<10000x1xf32> to vector<10000x16xf32>
    %mul3A_16 = arith.mulf %mul3A, %add3A_15 : vector<10000x16xf32>
    %max3A = arith.constant 0.000000e+00 : f32
    %max3A_17 = vector.broadcast %max3A : f32 to vector<10000x16xf32>
    %max3A_18 = arith.maximumf %mul3A_16, %max3A_17 : vector<10000x16xf32>
    %get3A_19 = arith.constant 0 : index
    %get3A_20 = arith.constant 0 : index
    %get3A_21 = vector.load %arg3[%get3A_19, %get3A_20] : memref<16x16xf32, #tpu.memory_space<vmem>>, vector<16x16xf32>
    %dot_general3A = arith.constant dense<0.000000e+00> : vector<10000x16xf32>
    %dot_general3A_22 = tpu.matmul %max3A_18, %get3A_21, %dot_general3A {dimension_numbers = #tpu.dot_dimension_numbers<[1], [0], [0], [1], [0, 0, 1, 1], [], []>, transpose_lhs_hint = false} : vector<10000x16xf32>, vector<16x16xf32>, vector<10000x16xf32> -> vector<10000x16xf32>
    %mul3A_23 = vector.broadcast %get3A_1 : vector<10000x1xf32> to vector<10000x16xf32>
    %mul3A_24 = arith.mulf %dot_general3A_22, %mul3A_23 : vector<10000x16xf32>
    %swap3A = arith.constant 0 : index
    %swap3A_25 = arith.constant 0 : index
    %swap3A_26 = vector.load %arg4[%swap3A, %swap3A_25] : memref<10000x16xf32, #tpu.memory_space<vmem>>, vector<10000x16xf32>
    tpu.vector_store %arg4[%swap3A, %swap3A_25], %mul3A_24 {strides = array<i32>} : memref<10000x16xf32, #tpu.memory_space<vmem>>, vector<10000x16xf32>,
    return
  }
}

module attributes {stable_mosaic.version = 14 : i64} {
  func.func @_tc_c_body(%arg0: memref<2x10000x16xf32, #tpu.memory_space<vmem>>, %arg1: memref<10000x16xf32, #tpu.memory_space<vmem>>, %arg2: memref<10000x1xf32, #tpu.memory_space<vmem>>, %arg3: memref<10000x16xf32, #tpu.memory_space<vmem>>) attributes {dimension_semantics = [], scalar_prefetch = 0 : i64, scratch_operands = 0 : i64, tpu.core_type = #tpu.core_type<tc>} {
    %get3A = arith.constant 0 : index
    %get3A_0 = arith.constant 0 : index
    %get3A_1 = vector.load %arg2[%get3A, %get3A_0] : memref<10000x1xf32, #tpu.memory_space<vmem>>, vector<10000x1xf32>
    %get3A_2 = arith.constant 0 : index
    %get3A_3 = arith.constant 0 : index
    %get3A_4 = arith.constant 0 : index
    %get3A_5 = vector.load %arg0[%get3A_2, %get3A_3, %get3A_4] : memref<2x10000x16xf32, #tpu.memory_space<vmem>>, vector<1x10000x16xf32>
    %get3A_6 = vector.shape_cast %get3A_5 : vector<1x10000x16xf32> to vector<10000x16xf32>
    %get3A_7 = arith.constant 1 : index
    %get3A_8 = arith.constant 0 : index
    %get3A_9 = arith.constant 0 : index
    %get3A_10 = vector.load %arg0[%get3A_7, %get3A_8, %get3A_9] : memref<2x10000x16xf32, #tpu.memory_space<vmem>>, vector<1x10000x16xf32>
    %get3A_11 = vector.shape_cast %get3A_10 : vector<1x10000x16xf32> to vector<10000x16xf32>
    %add3A = arith.addf %get3A_6, %get3A_11 : vector<10000x16xf32>
    %get3A_12 = arith.constant 0 : index
    %get3A_13 = arith.constant 0 : index
    %get3A_14 = vector.load %arg1[%get3A_12, %get3A_13] : memref<10000x16xf32, #tpu.memory_space<vmem>>, vector<10000x16xf32>
    %add3A_15 = arith.addf %add3A, %get3A_14 : vector<10000x16xf32>
    %mul3A = vector.broadcast %get3A_1 : vector<10000x1xf32> to vector<10000x16xf32>
    %mul3A_16 = arith.mulf %mul3A, %add3A_15 : vector<10000x16xf32>
    %exp3A = math.exp %mul3A_16 : vector<10000x16xf32>
    %add3A_17 = arith.constant 1.000000e+00 : f32
    %add3A_18 = vector.broadcast %add3A_17 : f32 to vector<10000x16xf32>
    %add3A_19 = arith.addf %exp3A, %add3A_18 : vector<10000x16xf32>
    %swap3A = arith.constant 0 : index
    %swap3A_20 = arith.constant 0 : index
    %swap3A_21 = vector.load %arg3[%swap3A, %swap3A_20] : memref<10000x16xf32, #tpu.memory_space<vmem>>, vector<10000x16xf32>
    tpu.vector_store %arg3[%swap3A, %swap3A_20], %add3A_19 {strides = array<i32>} : memref<10000x16xf32, #tpu.memory_space<vmem>>, vector<10000x16xf32>,
    return
  }
}

</mosaic_0001>

<sc_bundles>
// kernel: kernel.11.cloned.1.call-start
scs
__scs_entry_jumppad:
0x0: {  	(pc) =	sbr.rel $0x88, $3  }
0x1: {  	(tag) =	ssettag $0x0;
	lr =	simm.s32 $0x1  }
0x2: {  	[smem:$0x3F9D] =	sst lr;
	_ =	strace $0xD0000000  }
0x3: {  	_ = 	snop  }
0x4: {  	_ = 	snop  }
0x5: {  	_ = 	snop  }
0x6: {  	_ = 	snop  }
0x7: {  	_ = 	snop  }
__scs_overlays_trampoline_lowered:
0x8: {  	[smem:$0x3FAC] =	sst s0  }
0x9: {  	[smem:$0x3FAD] =	sst s1  }
0xa: {  	[smem:$0x3FAE] =	sst s2  }
0xb: {  	[smem:$0x3FAF] =	sst s3  }
0xc: {  	[smem:$0x3FB0] =	sst s4  }
0xd: {  	[smem:$0x3FB1] =	sst s5  }
0xe: {  	[smem:$0x3FB2] =	sst s6  }
0xf: {  	[smem:$0x3FB3] =	sst s7  }
0x10: {  	[smem:$0x3FB4] =	sst s8  }
0x11: {  	[smem:$0x3FB5] =	sst s9;
	s0 =	simm.s32 @!p0 $0x0  }
0x12: {  	s1 =	sld [smem:$0x3F9B];
	s0 =	simm.s32 @p0 $0x1  }
0x13: {  	[smem:$0x3FB6] =	sst s0;
	s0 =	simm.s32 @!p1 $0x0  }
0x14: {  	s2 =	sld [smem:$0x3F9A];
	s0 =	simm.s32 @p1 $0x1  }
0x15: {  	[smem:$0x3FB7] =	sst s0;
	s0 =	simm.s32 @!p2 $0x0  }
0x16: {  	s3 =	sld [smem:$0x3FDB];
	s0 =	simm.s32 @p2 $0x1  }
0x17: {  	s4 =	simm.s32 $0x1BF5;
	[smem:$0x3FB9] =	sst s0  }
0x18: {  	s0 =	sld [smem:$0x3F9C];
	_ =	swait.ge [sflag:s4], $0x0  }
0x19: {  	s7 =	sld [smem:$0x3F9D]  }
0x1a: {  	s8 =	sadd.s32 $0xFFFFE003, lr  }
0x1b: {  	s9 =	sadd.s32 $0xFFFFFEF7, lr;
	s5 =	simm.s32 $0xFFFFFFFF;
	p2 =	slt.u32 s8, $0xFFFFF086  }
0x1c: {  	p1 =	slt.u32 s9, $0xF7A;
	s5 =	simm.s32 @!p2 $0x0  }
0x1d: {  	s5 =	simm.s32 @p1 $0x1;
	p0 =	seq.s32 s7, s2  }
0x1e: {  	s7 =	smul.u32 @!p0 $0xF7A, s2;
	p2 =	seq.s32 @!p0 s5, $0x0  }
0x1f: {  	s9 =	smul.u32 $0xF7A, s1;
	s8 =	simm.s32 @!p0 $0x1BF5;
	p2 =	por !p2, p0  }
0x20: {  	[sflag:s8] =	ssyncset.s32 @!p0 $0xFFFFF086;
	s6 =	sadd.s32 @!p0 s3, s7;
	s7 =	simm.s32 @!p0 $0x108  }
0x21: {  	s3 =	sadd.s32 s3, s9;
	s6 =	sadd.s32 @!p0 $0x88, s6;
	s7 =	simm.s32 @p2 $0x1082  }
0x22: {  	[simem:s7], [sflag:s8] =	dma.local @!p0 [hbm:s6], $0xF7A  }
0x23: {  	s9 =	sor.u32 $0xD0000000, s2;
	s6 =	simm.s32 $0x108;
	_ =	swait.ge @!p0 [sflag:s8], $0x0  }
0x24: {  	s3 =	sadd.s32 $0x88, s3;
	s6 =	simm.s32 @!p1 $0x1082;
	[sflag:s4] =	ssyncset.s32 $0xFFFFF086  }
0x25: {  	[simem:s6], [sflag:s4] =	dma.local [hbm:s3], $0xF7A  }
0x26: {  	[smem:$0x3F9D] =	sst s1;
	(tag) =	ssettag s2;
	_ =	strace s9  }
0x27: {  	s1 =	sld [smem:$0x3FAD]  }
0x28: {  	s2 =	sld [smem:$0x3FAE]  }
0x29: {  	s4 =	sld [smem:$0x3FB0]  }
0x2a: {  	p0 =	seq.s32 s5, $0x0;
	s5 =	sld [smem:$0x3FB1]  }
0x2b: {  	s6 =	sld [smem:$0x3FB2]  }
0x2c: {  	s7 =	sld [smem:$0x3FB3]  }
0x2d: {  	s3 =	simm.s32 $0x108;
	s8 =	sld [smem:$0x3FB4]  }
0x2e: {  	s3 =	simm.s32 @!p0 $0x1082;
	s9 =	sld [smem:$0x3FB5]  }
0x2f: {  	lr =	sadd.s32 s0, s3;
	s0 =	sld [smem:$0x3FAC]  }
0x30: {  	s3 =	sld [smem:$0x3FAF]  }
0x31: {  	[smem:$0x3FB8] =	sst s10  }
0x32: {  	s10 =	sld [smem:$0x3FB6];
	_ =	sdelay $0x3  }
0x33: {  	p0 =	seq.s32 s10, $0x1;
	s10 =	sld [smem:$0x3FB8];
	_ =	sdelay $0x3  }
0x34: {  	[smem:$0x3FB8] =	sst s10  }
0x35: {  	s10 =	sld [smem:$0x3FB7];
	_ =	sdelay $0x3  }
0x36: {  	p1 =	seq.s32 s10, $0x1;
	s10 =	sld [smem:$0x3FB8];
	_ =	sdelay $0x3  }
0x37: {  	[smem:$0x3FB8] =	sst s10  }
0x38: {  	s10 =	sld [smem:$0x3FB9]  }
0x39: {  	_ = 	snop;
	(pc) =	sbr.ind lr, $3  }
0x3a: {  	_ = 	snop  }
0x3b: {  	_ = 	snop  }
0x3c: {  	p2 =	seq.s32 s10, $0x1;
	s10 =	sld [smem:$0x3FB8]  }
0x3d: {  	_ =	shalt  }
0x3e: {  	_ =	shalt  }
0x3f: {  	_ =	shalt  }
0x40: {  	_ =	shalt  }
0x41: {  	_ =	shalt  }
0x42: {  	_ =	shalt  }
0x43: {  	_ =	shalt  }
0x44: {  	_ =	shalt  }
0x45: {  	_ =	shalt  }
0x46: {  	_ =	shalt  }
0x47: {  	_ =	shalt  }
0x48: {  	_ =	shalt  }
0x49: {  	_ =	shalt  }
0x4a: {  	_ =	shalt  }
0x4b: {  	_ =	shalt  }
0x4c: {  	_ =	shalt  }
0x4d: {  	_ =	shalt  }
0x4e: {  	_ =	shalt  }
0x4f: {  	_ =	shalt  }
0x50: {  	_ =	shalt  }
0x51: {  	_ =	shalt  }
0x52: {  	_ =	shalt  }
0x53: {  	_ =	shalt  }
0x54: {  	_ =	shalt  }
0x55: {  	_ =	shalt  }
0x56: {  	_ =	shalt  }
0x57: {  	_ =	shalt  }
0x58: {  	_ =	shalt  }
0x59: {  	_ =	shalt  }
0x5a: {  	_ =	shalt  }
0x5b: {  	_ =	shalt  }
0x5c: {  	_ =	shalt  }
0x5d: {  	_ =	shalt  }
0x5e: {  	_ =	shalt  }
0x5f: {  	_ =	shalt  }
0x60: {  	_ =	shalt  }
0x61: {  	_ =	shalt  }
0x62: {  	_ =	shalt  }
0x63: {  	_ =	shalt  }
0x64: {  	_ =	shalt  }
0x65: {  	_ =	shalt  }
0x66: {  	_ =	shalt  }
0x67: {  	_ =	shalt  }
0x68: {  	_ =	shalt  }
0x69: {  	_ =	shalt  }
0x6a: {  	_ =	shalt  }
0x6b: {  	_ =	shalt  }
0x6c: {  	_ =	shalt  }
0x6d: {  	_ =	shalt  }
0x6e: {  	_ =	shalt  }
0x6f: {  	_ =	shalt  }
0x70: {  	_ =	shalt  }
0x71: {  	_ =	shalt  }
0x72: {  	_ =	shalt  }
0x73: {  	_ =	shalt  }
0x74: {  	_ =	shalt  }
0x75: {  	_ =	shalt  }
0x76: {  	_ =	shalt  }
0x77: {  	_ =	shalt  }
0x78: {  	_ =	shalt  }
0x79: {  	_ =	shalt  }
0x7a: {  	_ =	shalt  }
0x7b: {  	_ =	shalt  }
0x7c: {  	_ =	shalt  }
0x7d: {  	_ =	shalt  }
0x7e: {  	_ =	shalt  }
0x7f: {  	_ =	shalt  }
0x80: {  	_ =	shalt  }
0x81: {  	_ =	shalt  }
0x82: {  	_ =	shalt  }
0x83: {  	_ =	shalt  }
0x84: {  	_ =	shalt  }
0x85: {  	_ =	shalt  }
0x86: {  	_ =	shalt  }
0x87: {  	_ =	shalt  }
.Lfunc_end0:
.L_simem_size_0:
called_computation.1_lowered:
.L_overlay_start_0:
0x88: {  	s2 =	sld [smem:$0x3FD9]  }
0x89: {  	s3 =	sld [smem:$0x3FFE];
	_ =	sdelay $0x1  }
0x8a: {  	s1 =	srdreg.scid  }
0x8b: {  	s0 =	sand.u32 $0x1, s1  }
0x8c: {  	s17 =	sshll.u32 s0, $0xA;
	s2 =	sadd.s32 s3, s2  }
0x8d: {  	s2 =	sadd.s32 s2, s17  }
0x8e: {  	[smem:$0x3FC4] =	sst s2  }
0x8f: {  	_ = 	snop  }
0x90: {  	s2 =	sld [smem:$0x3FD0];
	(tm) =	ssettm $0x1  }
0x91: {  	s18 =	sld [smem:$0x3FFB];
	_ =	sdelay $0x3  }
0x92: {  	_ =	strace s18  }
0x93: {  	s3 =	sld [smem:$0x3FFC];
	_ =	sdelay $0x3  }
0x94: {  	_ =	strace s3  }
0x95: {  	s3 =	sld [smem:$0x3FFD];
	_ =	sdelay $0x3  }
0x96: {  	_ =	strace s3  }
0x97: {  	_ =	strace $0x8FFFFFFF  }
0x98: {  	s19 =	sld [smem:$0x3FDB];
	_ =	sdelay $0x1  }
0x99: {  	s4 =	simm.s32 $_scs_section_size  }
0x9a: {  	s5 =	simm.s32 $_size__tile_overlayer_lowered;
	s6 =	simm.s32 $_tile_overlayer_lowered  }
0x9b: {  	s22 =	simm.s32 $0x1BFF;
	s21 =	sshll.u32 s6, $0x1;
	s3 =	sadd.s32 s4, s19  }
0x9c: {  	s7 =	simm.s32 $0x0;
	s20 =	sshll.u32 s5, $0x1;
	s5 =	sadd.s32 s21, s3  }
0x9d: {  	[timem:s7], [sflag:s22] =	dma.local [hbm:s5], s20  }
0x9e: {  	_ =	swait.ge [sflag:s22], s20  }
0x9f: {  	s4 =	ssub.s32 $0x0, s20;
	[sflag:s22] =	ssyncset.done $0x0  }
0xa0: {  	[sflag:s22] =	ssyncadd.s32 s4;
	_ =	sdelay $0x1  }
0xa1: {  	s23 =	simm.s32 $0x1B8B  }
0xa2: {  	_ =	swait.ge [sflag:s23], $0x1  }
0xa3: {  	[sflag:s23] =	ssyncset.done $0x0  }
0xa4: {  	s25 =	simm.s32 $0x1B8E;
	s24 =	sld [smem:$0x3FFE];
	[sflag:s23] =	ssyncadd.s32 $0xFFFFFFFF  }
0xa5: {  	s26 =	simm.s32 $execute0_lowered;
	[smem:$0x3FD2] =	sst s25  }
0xa6: {  	s5 =	sshll.u32 s26, $0x1;
	_ =	strace $0x80000049;
	[dreg:$0x1] =	wrdreg $0xFFFFFFFF  }
0xa7: {  	s28 =	simm.s32 $_size_execute0_lowered;
	s3 =	sadd.s32 s3, s5;
	[dreg:$0x0] =	wrdreg $0x0  }
0xa8: {  	s5 =	sshll.u32 s28, $0x1;
	[dreg:$0x2] =	wrdreg s3  }
0xa9: {  	[dreg:$0x3] =	wrdreg s5  }
0xaa: {  	[dreg:$0x4] =	wrdreg $0xC0  }
0xab: {  	_ =	task [dreg:s7], $0x5FFFF  }
0xac: {  	[dreg:$0x1] =	wrdreg $0xFFFFFFFF  }
0xad: {  	[dreg:$0x0] =	wrdreg $0x60  }
0xae: {  	[dreg:$0x2] =	wrdreg s2  }
0xaf: {  	[dreg:$0x3] =	wrdreg s24  }
0xb0: {  	[dreg:$0x4] =	wrdreg $0x16F300  }
0xb1: {  	[dreg:$0x5] =	wrdreg $0x9  }
0xb2: {  	_ =	task.clear_ibuf [dreg:s7], $0x6FFFF;
	_ =	strace $0x90000049  }
0xb3: {  	s29 =	simm.s32 $0x9;
	_ =	strace $0x8000004B  }
0xb4: {  	_ =	swait.ge [sflag:s29], $0x1  }
0xb5: {  	[sflag:s29] =	ssyncadd.s32 $0xFFFFFFFF  }
0xb6: {  	_ =	strace $0x9000004B  }
0xb7: {  	_ =	sfence  }
0xb8: {  	s30 =	sld [smem:$0x0];
	_ =	sdelay $0x2  }
0xb9: {  	s31 =	sshll.u32 s1, $0xD;
	s1 =	sshrl.u32 s1, $0x2  }
0xba: {  	s3 =	sand.u32 $0x4000, s31;
	s1 =	sadd.s32 s1, s30  }
0xbb: {  	s0 =	sor.u32 s3, s0;
	s1 =	sshll.u32 s1, $0x11  }
0xbc: {  	s0 =	sor.u32 s1, s0  }
0xbd: {  	s0 =	sadd.s32 $0x8F2B, s0  }
0xbe: {  	[sflag:s0] =	ssyncadd.remote.s32 $0x1  }
0xbf: {  	_ =	sfence.sel $0xFFFF  }
0xc0: {  	[dreg:$0x0] =	wrdreg $0xFFFFFFFF;
	(pc) =	sbr.abs _section_cstart, $3  }
0xc1: {  	[dreg:$0x1] =	wrdreg $0xFFFFFFFF  }
0xc2: {  	_ =	task.clear_ibuf [dreg:s7], $0x2FFFF;
	_ =	strace $0x9FFFFFFF  }
0xc3: {  	(tm) =	ssettm $0x7FFFFFFF  }
tec
execute0_lowered:
.L_overlay_start_1:
0x0: {  	(tag) =	ssettag $0x1  }
0x1: {  	s1 =	rddreg [dreg:$0x0]  }
0x2: {  	s9 =	rddreg [dreg:$0x1]  }
0x3: {  	s2 =	rddreg [dreg:$0x2]  }
0x4: {  	s0 =	rddreg [dreg:$0x3];
	s4 =	simm.s32 $0x0  }
0x5: {  	s6 =	srdreg.scid;
	s3 =	stileid.u32;
	s7 =	simm.s32 $0x14820  }
0x6: {  	[smem:$0x7FF] =	sst s4;
	s5 =	sadd.s32 $0x14E00, s9;
	s24 =	sand.u32 $0x1, s6  }
0x7: {  	s8 =	smul.u32 $0x9C40, s3;
	s6 =	simm.s32 $0x3;
	_ =	strace $0x8000004A  }
0x8: {  	[tilespmem:s7], [sflag:$0x3] =	stream.linear.gather [hbm4b:s5+s4], $0x2710, $0x38;
	[tilespmem:$0x19640] =	vst v63  }
0x9: {  	s10 =	sshll.u32 s24, $0x4;
	_ =	swait.ge [sflag:s6], $0x2710  }
0xa: {  	s10 =	sor.u32 s3, s10;
	s8 =	sshrl.u32 s8, $0x2;
	[sflag:s6] =	ssyncset.done $0x0  }
0xb: {  	s10 =	smul.u32 $0x4E2, s10;
	s8 =	sadd.s32 s8, s2;
	[sflag:s6] =	ssyncadd.s32 $0xFFFFD8F0  }
0xc: {  	[spmem:s8] =	stream.linear.scatter [tilespmem:s7], [sflag:$0x3], $0x2710, $0x38;
	[tilespmem:$0x19640] =	vst v63  }
0xd: {  	_ =	swait.ge [sflag:s6], $0x2710  }
0xe: {  	s25 =	sadd.s32 s10, s9;
	[sflag:s6] =	ssyncset.done $0x0  }
0xf: {  	s9 =	sadd.s32 $0x1200, s25;
	[sflag:s6] =	ssyncadd.s32 $0xFFFFD8F0  }
0x10: {  	[tilespmem:s4], [sflag:$0x3] =	stream.linear.gather [hbm4b:s9+s4], $0x2710, $0x38;
	[tilespmem:$0x19640] =	vst v63  }
0x11: {  	_ =	swait.ge [sflag:s6], $0x2710  }
0x12: {  	[sflag:s6] =	ssyncset.done $0x0  }
0x13: {  	s11 =	simm.s32 $0x2710;
	s10 =	sadd.s32 $0xB000, s25;
	[sflag:s6] =	ssyncadd.s32 $0xFFFFD8F0  }
0x14: {  	[tilespmem:s11], [sflag:$0x3] =	stream.linear.gather [hbm4b:s10+s4], $0x2710, $0x38;
	[tilespmem:$0x19640] =	vst v63  }
0x15: {  	_ =	swait.ge [sflag:s6], $0x2710  }
0x16: {  	[sflag:s6] =	ssyncset.done $0x0  }
0x17: {  	s12 =	simm.s32 $0x7D0;
	[sflag:s6] =	ssyncadd.s32 $0xFFFFD8F0  }
0x18: {  	s13 =	simm.s32 $0x4E20;
	s14 =	simm.s32 $0x1;
	[bflag:$0x0] =	sbarrier.arrive $0xFFFF  }
0x19: {  	[tilespmem:s13], [sflag:$0x1] =	stream.indirect.gather [hbm4b:s1+s12], $0x10, s4, s12, $0xb8;
	[tilespmem:$0x19640] =	vst v63  }
0x1a: {  	_ =	swait.ge [sflag:s14], $0x7D00  }
0x1b: {  	[sflag:s14] =	ssyncset.done $0x0  }
0x1c: {  	s15 =	simm.s32 $0xCB20;
	[sflag:s14] =	ssyncadd.s32 $0xFFFF8300  }
0x1d: {  	[tilespmem:s15], [sflag:$0x2] =	stream.indirect.gather [hbm4b:s1+s12], $0x10, s12, s12, $0xb8;
	[tilespmem:$0x19640] =	vst v63  }
0x1e: {  	_ = 	snop  }
0x1f: {  	[spmem:s2] =	stream.indirect.scatter.add.f32 [tilespmem:s13], [sflag:$0x3], $0x10, s11, s12, $0xb8;
	[tilespmem:$0x19640] =	vst v63  }
0x20: {  	_ =	swait.ge [sflag:s6], $0x7D00  }
0x21: {  	[sflag:s6] =	ssyncset.done $0x0  }
0x22: {  	s16 =	simm.s32 $0x2;
	[sflag:s6] =	ssyncadd.s32 $0xFFFF8300  }
0x23: {  	_ =	swait.ge [sflag:s16], $0x7D00  }
0x24: {  	[sflag:s16] =	ssyncset.done $0x0  }
0x25: {  	s17 =	simm.s32 $0xFA0;
	[sflag:s16] =	ssyncadd.s32 $0xFFFF8300  }
0x26: {  	[tilespmem:s13], [sflag:$0x1] =	stream.indirect.gather [hbm4b:s1+s12], $0x10, s17, s12, $0xb8;
	[tilespmem:$0x19640] =	vst v63  }
0x27: {  	s18 =	simm.s32 $0x2EE0  }
0x28: {  	[spmem:s2] =	stream.indirect.scatter.add.f32 [tilespmem:s15], [sflag:$0x3], $0x10, s18, s12, $0xb8;
	[tilespmem:$0x19640] =	vst v63  }
0x29: {  	_ =	swait.ge [sflag:s6], $0x7D00  }
0x2a: {  	[sflag:s6] =	ssyncset.done $0x0  }
0x2b: {  	[sflag:s6] =	ssyncadd.s32 $0xFFFF8300  }
0x2c: {  	_ =	swait.ge [sflag:s14], $0x7D00  }
0x2d: {  	[sflag:s14] =	ssyncset.done $0x0  }
0x2e: {  	s19 =	simm.s32 $0x1770;
	[sflag:s14] =	ssyncadd.s32 $0xFFFF8300  }
0x2f: {  	[tilespmem:s15], [sflag:$0x2] =	stream.indirect.gather [hbm4b:s1+s12], $0x10, s19, s12, $0xb8;
	[tilespmem:$0x19640] =	vst v63  }
0x30: {  	s20 =	simm.s32 $0x36B0  }
0x31: {  	[spmem:s2] =	stream.indirect.scatter.add.f32 [tilespmem:s13], [sflag:$0x3], $0x10, s20, s12, $0xb8;
	[tilespmem:$0x19640] =	vst v63  }
0x32: {  	_ =	swait.ge [sflag:s6], $0x7D00  }
0x33: {  	[sflag:s6] =	ssyncset.done $0x0  }
0x34: {  	[sflag:s6] =	ssyncadd.s32 $0xFFFF8300  }
0x35: {  	_ =	swait.ge [sflag:s16], $0x7D00  }
0x36: {  	[sflag:s16] =	ssyncset.done $0x0  }
0x37: {  	s21 =	simm.s32 $0x1F40;
	[sflag:s16] =	ssyncadd.s32 $0xFFFF8300  }
0x38: {  	[tilespmem:s13], [sflag:$0x1] =	stream.indirect.gather [hbm4b:s1+s12], $0x10, s21, s12, $0xb8;
	[tilespmem:$0x19640] =	vst v63  }
0x39: {  	s22 =	simm.s32 $0x3E80  }
0x3a: {  	[spmem:s2] =	stream.indirect.scatter.add.f32 [tilespmem:s15], [sflag:$0x3], $0x10, s22, s12, $0xb8;
	[tilespmem:$0x19640] =	vst v63  }
0x3b: {  	_ =	swait.ge [sflag:s6], $0x7D00  }
0x3c: {  	[sflag:s6] =	ssyncset.done $0x0  }
0x3d: {  	[sflag:s6] =	ssyncadd.s32 $0xFFFF8300  }
0x3e: {  	_ =	swait.ge [sflag:s14], $0x7D00  }
0x3f: {  	[sflag:s14] =	ssyncset.done $0x0  }
0x40: {  	s23 =	simm.s32 $0x4650;
	[sflag:s14] =	ssyncadd.s32 $0xFFFF8300  }
0x41: {  	[spmem:s2] =	stream.indirect.scatter.add.f32 [tilespmem:s13], [sflag:$0x3], $0x10, s23, s12, $0xb8;
	[tilespmem:$0x19640] =	vst v63  }
0x42: {  	s24 =	ssub.s32 $0x2, s24;
	_ =	swait.ge [sflag:s6], $0x7D00  }
0x43: {  	s26 =	sshrl.u32 s24, $0x1;
	[sflag:s6] =	ssyncset.done $0x0  }
0x44: {  	s26 =	ssub.s32 s24, s26;
	[sflag:s6] =	ssyncadd.s32 $0xFFFF8300  }
0x45: {  	s31 =	smax.u32 s26, $0x1;
	[bflag:$0x0] =	sbarrier.arrive $0xFFFF  }
0x46: {  	[tilespmem:s7], [sflag:$0x3] =	stream.linear.gather [spmem:s8], $0x2710, $0x38;
	[tilespmem:$0x19640] =	vst v63  }
0x47: {  	p0 =	sne.s32 s31, $0x1;
	_ =	swait.ge [sflag:s6], $0x2710  }
.Ltmp0:
0x48: {  	[sflag:s6] =	ssyncset.done $0x0;
	(pc) =	sbr.rel @!p0 .LBB2_2-.Ltmp0, $4  }
0x49: {  	s24 =	sadd.s32 $0x15400, s25;
	[sflag:s6] =	ssyncadd.s32 $0xFFFFD8F0  }
0x4a: {  	[hbm4b:s24+s4] =	stream.linear.scatter [tilespmem:s7], [sflag:$0x3], $0x2710, $0x38;
	[tilespmem:$0x19640] =	vst v63  }
0x4b: {  	_ =	swait.ge [sflag:s6], $0x2710  }
0x4c: {  	s25 =	sadd.s32 $0xFFFFFFFF, s31;
	[sflag:s6] =	ssyncset.done $0x0  }
.LBB2_1:
0x4d: {  	p0 =	sne.s32 s25, $0x1;
	s25 =	sadd.s32 $0xFFFFFFFF, s25;
	[sflag:s6] =	ssyncadd.s32 $0xFFFFD8F0  }
0x4e: {  	[tilespmem:s7], [sflag:$0x3] =	stream.linear.gather [hbm4b:s5+s4], $0x2710, $0x38;
	[tilespmem:$0x19640] =	vst v63  }
0x4f: {  	_ =	swait.ge [sflag:s6], $0x2710  }
0x50: {  	[sflag:s6] =	ssyncset.done $0x0  }
0x51: {  	[sflag:s6] =	ssyncadd.s32 $0xFFFFD8F0  }
0x52: {  	[spmem:s8] =	stream.linear.scatter [tilespmem:s7], [sflag:$0x3], $0x2710, $0x38;
	[tilespmem:$0x19640] =	vst v63  }
0x53: {  	_ =	swait.ge [sflag:s6], $0x2710  }
0x54: {  	[sflag:s6] =	ssyncset.done $0x0  }
0x55: {  	[sflag:s6] =	ssyncadd.s32 $0xFFFFD8F0  }
0x56: {  	[tilespmem:s4], [sflag:$0x3] =	stream.linear.gather [hbm4b:s9+s4], $0x2710, $0x38;
	[tilespmem:$0x19640] =	vst v63  }
0x57: {  	_ =	swait.ge [sflag:s6], $0x2710  }
0x58: {  	[sflag:s6] =	ssyncset.done $0x0  }
0x59: {  	[sflag:s6] =	ssyncadd.s32 $0xFFFFD8F0  }
0x5a: {  	[tilespmem:s11], [sflag:$0x3] =	stream.linear.gather [hbm4b:s10+s4], $0x2710, $0x38;
	[tilespmem:$0x19640] =	vst v63  }
0x5b: {  	_ =	swait.ge [sflag:s6], $0x2710  }
0x5c: {  	[sflag:s6] =	ssyncset.done $0x0  }
0x5d: {  	[sflag:s6] =	ssyncadd.s32 $0xFFFFD8F0  }
0x5e: {  	[bflag:$0x0] =	sbarrier.arrive $0xFFFF  }
0x5f: {  	[tilespmem:s13], [sflag:$0x1] =	stream.indirect.gather [hbm4b:s1+s12], $0x10, s4, s12, $0xb8;
	[tilespmem:$0x19640] =	vst v63  }
0x60: {  	_ =	swait.ge [sflag:s14], $0x7D00  }
0x61: {  	[sflag:s14] =	ssyncset.done $0x0  }
0x62: {  	[sflag:s14] =	ssyncadd.s32 $0xFFFF8300  }
0x63: {  	[tilespmem:s15], [sflag:$0x2] =	stream.indirect.gather [hbm4b:s1+s12], $0x10, s12, s12, $0xb8;
	[tilespmem:$0x19640] =	vst v63  }
0x64: {  	_ = 	snop  }
0x65: {  	[spmem:s2] =	stream.indirect.scatter.add.f32 [tilespmem:s13], [sflag:$0x3], $0x10, s11, s12, $0xb8;
	[tilespmem:$0x19640] =	vst v63  }
0x66: {  	_ =	swait.ge [sflag:s6], $0x7D00  }
0x67: {  	[sflag:s6] =	ssyncset.done $0x0  }
0x68: {  	[sflag:s6] =	ssyncadd.s32 $0xFFFF8300  }
0x69: {  	_ =	swait.ge [sflag:s16], $0x7D00  }
0x6a: {  	[sflag:s16] =	ssyncset.done $0x0  }
0x6b: {  	[sflag:s16] =	ssyncadd.s32 $0xFFFF8300  }
0x6c: {  	[tilespmem:s13], [sflag:$0x1] =	stream.indirect.gather [hbm4b:s1+s12], $0x10, s17, s12, $0xb8;
	[tilespmem:$0x19640] =	vst v63  }
0x6d: {  	_ = 	snop  }
0x6e: {  	[spmem:s2] =	stream.indirect.scatter.add.f32 [tilespmem:s15], [sflag:$0x3], $0x10, s18, s12, $0xb8;
	[tilespmem:$0x19640] =	vst v63  }
0x6f: {  	_ =	swait.ge [sflag:s6], $0x7D00  }
0x70: {  	[sflag:s6] =	ssyncset.done $0x0  }
0x71: {  	[sflag:s6] =	ssyncadd.s32 $0xFFFF8300  }
0x72: {  	_ =	swait.ge [sflag:s14], $0x7D00  }
0x73: {  	[sflag:s14] =	ssyncset.done $0x0  }
0x74: {  	[sflag:s14] =	ssyncadd.s32 $0xFFFF8300  }
0x75: {  	[tilespmem:s15], [sflag:$0x2] =	stream.indirect.gather [hbm4b:s1+s12], $0x10, s19, s12, $0xb8;
	[tilespmem:$0x19640] =	vst v63  }
0x76: {  	_ = 	snop  }
0x77: {  	[spmem:s2] =	stream.indirect.scatter.add.f32 [tilespmem:s13], [sflag:$0x3], $0x10, s20, s12, $0xb8;
	[tilespmem:$0x19640] =	vst v63  }
0x78: {  	_ =	swait.ge [sflag:s6], $0x7D00  }
0x79: {  	[sflag:s6] =	ssyncset.done $0x0  }
0x7a: {  	[sflag:s6] =	ssyncadd.s32 $0xFFFF8300  }
0x7b: {  	_ =	swait.ge [sflag:s16], $0x7D00  }
0x7c: {  	[sflag:s16] =	ssyncset.done $0x0  }
0x7d: {  	[sflag:s16] =	ssyncadd.s32 $0xFFFF8300  }
0x7e: {  	[tilespmem:s13], [sflag:$0x1] =	stream.indirect.gather [hbm4b:s1+s12], $0x10, s21, s12, $0xb8;
	[tilespmem:$0x19640] =	vst v63  }
0x7f: {  	_ = 	snop  }
0x80: {  	[spmem:s2] =	stream.indirect.scatter.add.f32 [tilespmem:s15], [sflag:$0x3], $0x10, s22, s12, $0xb8;
	[tilespmem:$0x19640] =	vst v63  }
0x81: {  	_ =	swait.ge [sflag:s6], $0x7D00  }
0x82: {  	[sflag:s6] =	ssyncset.done $0x0  }
0x83: {  	[sflag:s6] =	ssyncadd.s32 $0xFFFF8300  }
0x84: {  	_ =	swait.ge [sflag:s14], $0x7D00  }
0x85: {  	[sflag:s14] =	ssyncset.done $0x0  }
0x86: {  	[sflag:s14] =	ssyncadd.s32 $0xFFFF8300  }
0x87: {  	[spmem:s2] =	stream.indirect.scatter.add.f32 [tilespmem:s13], [sflag:$0x3], $0x10, s23, s12, $0xb8;
	[tilespmem:$0x19640] =	vst v63  }
0x88: {  	_ =	swait.ge [sflag:s6], $0x7D00  }
0x89: {  	[sflag:s6] =	ssyncset.done $0x0  }
0x8a: {  	[sflag:s6] =	ssyncadd.s32 $0xFFFF8300  }
0x8b: {  	[bflag:$0x0] =	sbarrier.arrive $0xFFFF  }
0x8c: {  	[tilespmem:s7], [sflag:$0x3] =	stream.linear.gather [spmem:s8], $0x2710, $0x38;
	[tilespmem:$0x19640] =	vst v63  }
0x8d: {  	_ =	swait.ge [sflag:s6], $0x2710  }
.Ltmp1:
0x8e: {  	[sflag:s6] =	ssyncset.done $0x0;
	(pc) =	sbr.rel @p0 .LBB2_1-.Ltmp1, $4  }
0x8f: {  	[sflag:s6] =	ssyncadd.s32 $0xFFFFD8F0  }
0x90: {  	[hbm4b:s24+s4] =	stream.linear.scatter [tilespmem:s7], [sflag:$0x3], $0x2710, $0x38;
	[tilespmem:$0x19640] =	vst v63  }
0x91: {  	_ =	swait.ge [sflag:s6], $0x2710  }
0x92: {  	[sflag:s6] =	ssyncset.done $0x0  }
.LBB2_2:
0x93: {  	[sflag:s6] =	ssyncadd.s32 $0xFFFFD8F0  }
0x94: {  	_ =	sfence.sel $0x180000  }
0x95: {  	[bflag:$0x0] =	sbarrier.arrive $0xFFFF  }
0x96: {  	p0 =	sne.s32 s3, $0x0;
	_ =	strace $0x9000004A  }
0x97: {  	s0 =	sadd.s32 @!p0 $0x100000, s0;
	[bflag:$0x2] =	sbarrier.arrive $0xFFFF  }
0x98: {  	[sflag:s0] =	ssyncadd.tile.s32 @!p0 $0x1;
	_ =	shalt  }
.Lfunc_end2:
_tile_overlayer_lowered:
.L_overlay_start_2:
0x99: {  	(tag) =	ssettag $0x2  }
0x9a: {  	s0 =	rddreg [dreg:$0x0];
	s2 =	stileid.u32  }
0x9b: {  	s1 =	rddreg [dreg:$0x1];
	p0 =	sne.s32 s2, $0x0  }
0x9c: {  	s3 =	rddreg [dreg:$0x2];
	[bflag:$0x3] =	sbarrier.arrive $0xFFFF;
	s2 =	simm.s32 @!p0 $0x1C03  }
0x9d: {  	[timem:s3], [sflag:s2] =	dma.local @!p0 [hbm:s0], s1  }
0x9e: {  	s0 =	simm.s32 @!p0 $0x3  }
0x9f: {  	_ =	swait.ge @!p0 [sflag:s0], s1  }
0xa0: {  	s1 =	ssub.s32 @!p0 $0x0, s1;
	[sflag:s0] =	ssyncset.done @!p0 $0x0  }
0xa1: {  	[sflag:s0] =	ssyncadd.s32 @!p0 s1  }
0xa2: {  	[bflag:$0x3] =	sbarrier.arrive $0xFFFF  }
0xa3: {  	_ =	shalt  }

// kernel: kernel.14.cloned.1.call-start
scs
__scs_entry_jumppad:
0x0: {  	(pc) =	sbr.rel $0x88, $3  }
0x1: {  	(tag) =	ssettag $0x0;
	lr =	simm.s32 $0x1  }
0x2: {  	[smem:$0x3F9D] =	sst lr;
	_ =	strace $0xD0000000  }
0x3: {  	_ = 	snop  }
0x4: {  	_ = 	snop  }
0x5: {  	_ = 	snop  }
0x6: {  	_ = 	snop  }
0x7: {  	_ = 	snop  }
__scs_overlays_trampoline_lowered:
0x8: {  	[smem:$0x3FAC] =	sst s0  }
0x9: {  	[smem:$0x3FAD] =	sst s1  }
0xa: {  	[smem:$0x3FAE] =	sst s2  }
0xb: {  	[smem:$0x3FAF] =	sst s3  }
0xc: {  	[smem:$0x3FB0] =	sst s4  }
0xd: {  	[smem:$0x3FB1] =	sst s5  }
0xe: {  	[smem:$0x3FB2] =	sst s6  }
0xf: {  	[smem:$0x3FB3] =	sst s7  }
0x10: {  	[smem:$0x3FB4] =	sst s8  }
0x11: {  	[smem:$0x3FB5] =	sst s9;
	s0 =	simm.s32 @!p0 $0x0  }
0x12: {  	s1 =	sld [smem:$0x3F9B];
	s0 =	simm.s32 @p0 $0x1  }
0x13: {  	[smem:$0x3FB6] =	sst s0;
	s0 =	simm.s32 @!p1 $0x0  }
0x14: {  	s2 =	sld [smem:$0x3F9A];
	s0 =	simm.s32 @p1 $0x1  }
0x15: {  	[smem:$0x3FB7] =	sst s0;
	s0 =	simm.s32 @!p2 $0x0  }
0x16: {  	s3 =	sld [smem:$0x3FDB];
	s0 =	simm.s32 @p2 $0x1  }
0x17: {  	s4 =	simm.s32 $0x1BF5;
	[smem:$0x3FB9] =	sst s0  }
0x18: {  	s0 =	sld [smem:$0x3F9C];
	_ =	swait.ge [sflag:s4], $0x0  }
0x19: {  	s7 =	sld [smem:$0x3F9D]  }
0x1a: {  	s8 =	sadd.s32 $0xFFFFE003, lr  }
0x1b: {  	s9 =	sadd.s32 $0xFFFFFEF7, lr;
	s5 =	simm.s32 $0xFFFFFFFF;
	p2 =	slt.u32 s8, $0xFFFFF086  }
0x1c: {  	p1 =	slt.u32 s9, $0xF7A;
	s5 =	simm.s32 @!p2 $0x0  }
0x1d: {  	s5 =	simm.s32 @p1 $0x1;
	p0 =	seq.s32 s7, s2  }
0x1e: {  	s7 =	smul.u32 @!p0 $0xF7A, s2;
	p2 =	seq.s32 @!p0 s5, $0x0  }
0x1f: {  	s9 =	smul.u32 $0xF7A, s1;
	s8 =	simm.s32 @!p0 $0x1BF5;
	p2 =	por !p2, p0  }
0x20: {  	[sflag:s8] =	ssyncset.s32 @!p0 $0xFFFFF086;
	s6 =	sadd.s32 @!p0 s3, s7;
	s7 =	simm.s32 @!p0 $0x108  }
0x21: {  	s3 =	sadd.s32 s3, s9;
	s6 =	sadd.s32 @!p0 $0x88, s6;
	s7 =	simm.s32 @p2 $0x1082  }
0x22: {  	[simem:s7], [sflag:s8] =	dma.local @!p0 [hbm:s6], $0xF7A  }
0x23: {  	s9 =	sor.u32 $0xD0000000, s2;
	s6 =	simm.s32 $0x108;
	_ =	swait.ge @!p0 [sflag:s8], $0x0  }
0x24: {  	s3 =	sadd.s32 $0x88, s3;
	s6 =	simm.s32 @!p1 $0x1082;
	[sflag:s4] =	ssyncset.s32 $0xFFFFF086  }
0x25: {  	[simem:s6], [sflag:s4] =	dma.local [hbm:s3], $0xF7A  }
0x26: {  	[smem:$0x3F9D] =	sst s1;
	(tag) =	ssettag s2;
	_ =	strace s9  }
0x27: {  	s1 =	sld [smem:$0x3FAD]  }
0x28: {  	s2 =	sld [smem:$0x3FAE]  }
0x29: {  	s4 =	sld [smem:$0x3FB0]  }
0x2a: {  	p0 =	seq.s32 s5, $0x0;
	s5 =	sld [smem:$0x3FB1]  }
0x2b: {  	s6 =	sld [smem:$0x3FB2]  }
0x2c: {  	s7 =	sld [smem:$0x3FB3]  }
0x2d: {  	s3 =	simm.s32 $0x108;
	s8 =	sld [smem:$0x3FB4]  }
0x2e: {  	s3 =	simm.s32 @!p0 $0x1082;
	s9 =	sld [smem:$0x3FB5]  }
0x2f: {  	lr =	sadd.s32 s0, s3;
	s0 =	sld [smem:$0x3FAC]  }
0x30: {  	s3 =	sld [smem:$0x3FAF]  }
0x31: {  	[smem:$0x3FB8] =	sst s10  }
0x32: {  	s10 =	sld [smem:$0x3FB6];
	_ =	sdelay $0x3  }
0x33: {  	p0 =	seq.s32 s10, $0x1;
	s10 =	sld [smem:$0x3FB8];
	_ =	sdelay $0x3  }
0x34: {  	[smem:$0x3FB8] =	sst s10  }
0x35: {  	s10 =	sld [smem:$0x3FB7];
	_ =	sdelay $0x3  }
0x36: {  	p1 =	seq.s32 s10, $0x1;
	s10 =	sld [smem:$0x3FB8];
	_ =	sdelay $0x3  }
0x37: {  	[smem:$0x3FB8] =	sst s10  }
0x38: {  	s10 =	sld [smem:$0x3FB9]  }
0x39: {  	_ = 	snop;
	(pc) =	sbr.ind lr, $3  }
0x3a: {  	_ = 	snop  }
0x3b: {  	_ = 	snop  }
0x3c: {  	p2 =	seq.s32 s10, $0x1;
	s10 =	sld [smem:$0x3FB8]  }
0x3d: {  	_ =	shalt  }
0x3e: {  	_ =	shalt  }
0x3f: {  	_ =	shalt  }
0x40: {  	_ =	shalt  }
0x41: {  	_ =	shalt  }
0x42: {  	_ =	shalt  }
0x43: {  	_ =	shalt  }
0x44: {  	_ =	shalt  }
0x45: {  	_ =	shalt  }
0x46: {  	_ =	shalt  }
0x47: {  	_ =	shalt  }
0x48: {  	_ =	shalt  }
0x49: {  	_ =	shalt  }
0x4a: {  	_ =	shalt  }
0x4b: {  	_ =	shalt  }
0x4c: {  	_ =	shalt  }
0x4d: {  	_ =	shalt  }
0x4e: {  	_ =	shalt  }
0x4f: {  	_ =	shalt  }
0x50: {  	_ =	shalt  }
0x51: {  	_ =	shalt  }
0x52: {  	_ =	shalt  }
0x53: {  	_ =	shalt  }
0x54: {  	_ =	shalt  }
0x55: {  	_ =	shalt  }
0x56: {  	_ =	shalt  }
0x57: {  	_ =	shalt  }
0x58: {  	_ =	shalt  }
0x59: {  	_ =	shalt  }
0x5a: {  	_ =	shalt  }
0x5b: {  	_ =	shalt  }
0x5c: {  	_ =	shalt  }
0x5d: {  	_ =	shalt  }
0x5e: {  	_ =	shalt  }
0x5f: {  	_ =	shalt  }
0x60: {  	_ =	shalt  }
0x61: {  	_ =	shalt  }
0x62: {  	_ =	shalt  }
0x63: {  	_ =	shalt  }
0x64: {  	_ =	shalt  }
0x65: {  	_ =	shalt  }
0x66: {  	_ =	shalt  }
0x67: {  	_ =	shalt  }
0x68: {  	_ =	shalt  }
0x69: {  	_ =	shalt  }
0x6a: {  	_ =	shalt  }
0x6b: {  	_ =	shalt  }
0x6c: {  	_ =	shalt  }
0x6d: {  	_ =	shalt  }
0x6e: {  	_ =	shalt  }
0x6f: {  	_ =	shalt  }
0x70: {  	_ =	shalt  }
0x71: {  	_ =	shalt  }
0x72: {  	_ =	shalt  }
0x73: {  	_ =	shalt  }
0x74: {  	_ =	shalt  }
0x75: {  	_ =	shalt  }
0x76: {  	_ =	shalt  }
0x77: {  	_ =	shalt  }
0x78: {  	_ =	shalt  }
0x79: {  	_ =	shalt  }
0x7a: {  	_ =	shalt  }
0x7b: {  	_ =	shalt  }
0x7c: {  	_ =	shalt  }
0x7d: {  	_ =	shalt  }
0x7e: {  	_ =	shalt  }
0x7f: {  	_ =	shalt  }
0x80: {  	_ =	shalt  }
0x81: {  	_ =	shalt  }
0x82: {  	_ =	shalt  }
0x83: {  	_ =	shalt  }
0x84: {  	_ =	shalt  }
0x85: {  	_ =	shalt  }
0x86: {  	_ =	shalt  }
0x87: {  	_ =	shalt  }
.Lfunc_end0:
.L_simem_size_0:
called_computation.2_lowered:
.L_overlay_start_0:
0x88: {  	s2 =	sld [smem:$0x3FD9]  }
0x89: {  	s3 =	sld [smem:$0x3FFE];
	_ =	sdelay $0x1  }
0x8a: {  	s1 =	srdreg.scid  }
0x8b: {  	s0 =	sand.u32 $0x1, s1  }
0x8c: {  	s17 =	sshll.u32 s0, $0xA;
	s2 =	sadd.s32 s3, s2  }
0x8d: {  	s2 =	sadd.s32 s2, s17  }
0x8e: {  	[smem:$0x3FC4] =	sst s2  }
0x8f: {  	_ = 	snop  }
0x90: {  	s2 =	sld [smem:$0x3FD0];
	(tm) =	ssettm $0x1  }
0x91: {  	s18 =	sld [smem:$0x3FFB];
	_ =	sdelay $0x3  }
0x92: {  	_ =	strace s18  }
0x93: {  	s3 =	sld [smem:$0x3FFC];
	_ =	sdelay $0x3  }
0x94: {  	_ =	strace s3  }
0x95: {  	s3 =	sld [smem:$0x3FFD];
	_ =	sdelay $0x3  }
0x96: {  	_ =	strace s3  }
0x97: {  	_ =	strace $0x8FFFFFFF  }
0x98: {  	s19 =	sld [smem:$0x3FDB];
	_ =	sdelay $0x1  }
0x99: {  	s4 =	simm.s32 $_scs_section_size  }
0x9a: {  	s5 =	simm.s32 $_size__tile_overlayer_lowered;
	s6 =	simm.s32 $_tile_overlayer_lowered  }
0x9b: {  	s22 =	simm.s32 $0x1BFF;
	s21 =	sshll.u32 s6, $0x1;
	s3 =	sadd.s32 s4, s19  }
0x9c: {  	s7 =	simm.s32 $0x0;
	s20 =	sshll.u32 s5, $0x1;
	s5 =	sadd.s32 s21, s3  }
0x9d: {  	[timem:s7], [sflag:s22] =	dma.local [hbm:s5], s20  }
0x9e: {  	_ =	swait.ge [sflag:s22], s20  }
0x9f: {  	s4 =	ssub.s32 $0x0, s20;
	[sflag:s22] =	ssyncset.done $0x0  }
0xa0: {  	[sflag:s22] =	ssyncadd.s32 s4;
	_ =	sdelay $0x1  }
0xa1: {  	s23 =	simm.s32 $0x1B8B  }
0xa2: {  	_ =	swait.ge [sflag:s23], $0x1  }
0xa3: {  	[sflag:s23] =	ssyncset.done $0x0  }
0xa4: {  	s25 =	simm.s32 $0x1B8E;
	s24 =	sld [smem:$0x3FFE];
	[sflag:s23] =	ssyncadd.s32 $0xFFFFFFFF  }
0xa5: {  	s26 =	simm.s32 $execute0_lowered;
	[smem:$0x3FD2] =	sst s25  }
0xa6: {  	s5 =	sshll.u32 s26, $0x1;
	_ =	strace $0x8000004C;
	[dreg:$0x1] =	wrdreg $0xFFFFFFFF  }
0xa7: {  	s28 =	simm.s32 $_size_execute0_lowered;
	s3 =	sadd.s32 s3, s5;
	[dreg:$0x0] =	wrdreg $0x0  }
0xa8: {  	s5 =	sshll.u32 s28, $0x1;
	[dreg:$0x2] =	wrdreg s3  }
0xa9: {  	[dreg:$0x3] =	wrdreg s5  }
0xaa: {  	[dreg:$0x4] =	wrdreg $0xC0  }
0xab: {  	_ =	task [dreg:s7], $0x5FFFF  }
0xac: {  	[dreg:$0x1] =	wrdreg $0xFFFFFFFF  }
0xad: {  	[dreg:$0x0] =	wrdreg $0x60  }
0xae: {  	[dreg:$0x2] =	wrdreg s2  }
0xaf: {  	[dreg:$0x3] =	wrdreg s24  }
0xb0: {  	[dreg:$0x4] =	wrdreg $0x16F300  }
0xb1: {  	[dreg:$0x5] =	wrdreg $0x9  }
0xb2: {  	_ =	task.clear_ibuf [dreg:s7], $0x6FFFF;
	_ =	strace $0x9000004C  }
0xb3: {  	s29 =	simm.s32 $0x9;
	_ =	strace $0x8000004E  }
0xb4: {  	_ =	swait.ge [sflag:s29], $0x1  }
0xb5: {  	[sflag:s29] =	ssyncadd.s32 $0xFFFFFFFF  }
0xb6: {  	_ =	strace $0x9000004E  }
0xb7: {  	_ =	sfence  }
0xb8: {  	s30 =	sld [smem:$0x0];
	_ =	sdelay $0x2  }
0xb9: {  	s31 =	sshll.u32 s1, $0xD;
	s1 =	sshrl.u32 s1, $0x2  }
0xba: {  	s3 =	sand.u32 $0x4000, s31;
	s1 =	sadd.s32 s1, s30  }
0xbb: {  	s0 =	sor.u32 s3, s0;
	s1 =	sshll.u32 s1, $0x11  }
0xbc: {  	s0 =	sor.u32 s1, s0  }
0xbd: {  	s0 =	sadd.s32 $0x8F2B, s0  }
0xbe: {  	[sflag:s0] =	ssyncadd.remote.s32 $0x1  }
0xbf: {  	_ =	sfence.sel $0xFFFF  }
0xc0: {  	[dreg:$0x0] =	wrdreg $0xFFFFFFFF;
	(pc) =	sbr.abs _section_cstart, $3  }
0xc1: {  	[dreg:$0x1] =	wrdreg $0xFFFFFFFF  }
0xc2: {  	_ =	task.clear_ibuf [dreg:s7], $0x2FFFF;
	_ =	strace $0x9FFFFFFF  }
0xc3: {  	(tm) =	ssettm $0x7FFFFFFF  }
tec
execute0_lowered:
.L_overlay_start_1:
0x0: {  	(tag) =	ssettag $0x1  }
0x1: {  	s1 =	rddreg [dreg:$0x0]  }
0x2: {  	s9 =	rddreg [dreg:$0x1]  }
0x3: {  	s2 =	rddreg [dreg:$0x2]  }
0x4: {  	s0 =	rddreg [dreg:$0x3];
	s4 =	simm.s32 $0x0  }
0x5: {  	s6 =	srdreg.scid;
	s3 =	stileid.u32;
	s7 =	simm.s32 $0x14820  }
0x6: {  	[smem:$0x7FF] =	sst s4;
	s5 =	sadd.s32 $0x14E00, s9;
	s24 =	sand.u32 $0x1, s6  }
0x7: {  	s8 =	smul.u32 $0x9C40, s3;
	s6 =	simm.s32 $0x3;
	_ =	strace $0x8000004D  }
0x8: {  	[tilespmem:s7], [sflag:$0x3] =	stream.linear.gather [hbm4b:s5+s4], $0x2710, $0x38;
	[tilespmem:$0x19640] =	vst v63  }
0x9: {  	s10 =	sshll.u32 s24, $0x4;
	_ =	swait.ge [sflag:s6], $0x2710  }
0xa: {  	s10 =	sor.u32 s3, s10;
	s8 =	sshrl.u32 s8, $0x2;
	[sflag:s6] =	ssyncset.done $0x0  }
0xb: {  	s10 =	smul.u32 $0x4E2, s10;
	s8 =	sadd.s32 s8, s2;
	[sflag:s6] =	ssyncadd.s32 $0xFFFFD8F0  }
0xc: {  	[spmem:s8] =	stream.linear.scatter [tilespmem:s7], [sflag:$0x3], $0x2710, $0x38;
	[tilespmem:$0x19640] =	vst v63  }
0xd: {  	_ =	swait.ge [sflag:s6], $0x2710  }
0xe: {  	s25 =	sadd.s32 s10, s9;
	[sflag:s6] =	ssyncset.done $0x0  }
0xf: {  	s9 =	sadd.s32 $0x1200, s25;
	[sflag:s6] =	ssyncadd.s32 $0xFFFFD8F0  }
0x10: {  	[tilespmem:s4], [sflag:$0x3] =	stream.linear.gather [hbm4b:s9+s4], $0x2710, $0x38;
	[tilespmem:$0x19640] =	vst v63  }
0x11: {  	_ =	swait.ge [sflag:s6], $0x2710  }
0x12: {  	[sflag:s6] =	ssyncset.done $0x0  }
0x13: {  	s11 =	simm.s32 $0x2710;
	s10 =	sadd.s32 $0xB000, s25;
	[sflag:s6] =	ssyncadd.s32 $0xFFFFD8F0  }
0x14: {  	[tilespmem:s11], [sflag:$0x3] =	stream.linear.gather [hbm4b:s10+s4], $0x2710, $0x38;
	[tilespmem:$0x19640] =	vst v63  }
0x15: {  	_ =	swait.ge [sflag:s6], $0x2710  }
0x16: {  	[sflag:s6] =	ssyncset.done $0x0  }
0x17: {  	s12 =	simm.s32 $0x7D0;
	[sflag:s6] =	ssyncadd.s32 $0xFFFFD8F0  }
0x18: {  	s13 =	simm.s32 $0x4E20;
	s14 =	simm.s32 $0x1;
	[bflag:$0x0] =	sbarrier.arrive $0xFFFF  }
0x19: {  	[tilespmem:s13], [sflag:$0x1] =	stream.indirect.gather [hbm4b:s1+s12], $0x10, s4, s12, $0xb8;
	[tilespmem:$0x19640] =	vst v63  }
0x1a: {  	_ =	swait.ge [sflag:s14], $0x7D00  }
0x1b: {  	[sflag:s14] =	ssyncset.done $0x0  }
0x1c: {  	s15 =	simm.s32 $0xCB20;
	[sflag:s14] =	ssyncadd.s32 $0xFFFF8300  }
0x1d: {  	[tilespmem:s15], [sflag:$0x2] =	stream.indirect.gather [hbm4b:s1+s12], $0x10, s12, s12, $0xb8;
	[tilespmem:$0x19640] =	vst v63  }
0x1e: {  	_ = 	snop  }
0x1f: {  	[spmem:s2] =	stream.indirect.scatter.add.f32 [tilespmem:s13], [sflag:$0x3], $0x10, s11, s12, $0xb8;
	[tilespmem:$0x19640] =	vst v63  }
0x20: {  	_ =	swait.ge [sflag:s6], $0x7D00  }
0x21: {  	[sflag:s6] =	ssyncset.done $0x0  }
0x22: {  	s16 =	simm.s32 $0x2;
	[sflag:s6] =	ssyncadd.s32 $0xFFFF8300  }
0x23: {  	_ =	swait.ge [sflag:s16], $0x7D00  }
0x24: {  	[sflag:s16] =	ssyncset.done $0x0  }
0x25: {  	s17 =	simm.s32 $0xFA0;
	[sflag:s16] =	ssyncadd.s32 $0xFFFF8300  }
0x26: {  	[tilespmem:s13], [sflag:$0x1] =	stream.indirect.gather [hbm4b:s1+s12], $0x10, s17, s12, $0xb8;
	[tilespmem:$0x19640] =	vst v63  }
0x27: {  	s18 =	simm.s32 $0x2EE0  }
0x28: {  	[spmem:s2] =	stream.indirect.scatter.add.f32 [tilespmem:s15], [sflag:$0x3], $0x10, s18, s12, $0xb8;
	[tilespmem:$0x19640] =	vst v63  }
0x29: {  	_ =	swait.ge [sflag:s6], $0x7D00  }
0x2a: {  	[sflag:s6] =	ssyncset.done $0x0  }
0x2b: {  	[sflag:s6] =	ssyncadd.s32 $0xFFFF8300  }
0x2c: {  	_ =	swait.ge [sflag:s14], $0x7D00  }
0x2d: {  	[sflag:s14] =	ssyncset.done $0x0  }
0x2e: {  	s19 =	simm.s32 $0x1770;
	[sflag:s14] =	ssyncadd.s32 $0xFFFF8300  }
0x2f: {  	[tilespmem:s15], [sflag:$0x2] =	stream.indirect.gather [hbm4b:s1+s12], $0x10, s19, s12, $0xb8;
	[tilespmem:$0x19640] =	vst v63  }
0x30: {  	s20 =	simm.s32 $0x36B0  }
0x31: {  	[spmem:s2] =	stream.indirect.scatter.add.f32 [tilespmem:s13], [sflag:$0x3], $0x10, s20, s12, $0xb8;
	[tilespmem:$0x19640] =	vst v63  }
0x32: {  	_ =	swait.ge [sflag:s6], $0x7D00  }
0x33: {  	[sflag:s6] =	ssyncset.done $0x0  }
0x34: {  	[sflag:s6] =	ssyncadd.s32 $0xFFFF8300  }
0x35: {  	_ =	swait.ge [sflag:s16], $0x7D00  }
0x36: {  	[sflag:s16] =	ssyncset.done $0x0  }
0x37: {  	s21 =	simm.s32 $0x1F40;
	[sflag:s16] =	ssyncadd.s32 $0xFFFF8300  }
0x38: {  	[tilespmem:s13], [sflag:$0x1] =	stream.indirect.gather [hbm4b:s1+s12], $0x10, s21, s12, $0xb8;
	[tilespmem:$0x19640] =	vst v63  }
0x39: {  	s22 =	simm.s32 $0x3E80  }
0x3a: {  	[spmem:s2] =	stream.indirect.scatter.add.f32 [tilespmem:s15], [sflag:$0x3], $0x10, s22, s12, $0xb8;
	[tilespmem:$0x19640] =	vst v63  }
0x3b: {  	_ =	swait.ge [sflag:s6], $0x7D00  }
0x3c: {  	[sflag:s6] =	ssyncset.done $0x0  }
0x3d: {  	[sflag:s6] =	ssyncadd.s32 $0xFFFF8300  }
0x3e: {  	_ =	swait.ge [sflag:s14], $0x7D00  }
0x3f: {  	[sflag:s14] =	ssyncset.done $0x0  }
0x40: {  	s23 =	simm.s32 $0x4650;
	[sflag:s14] =	ssyncadd.s32 $0xFFFF8300  }
0x41: {  	[spmem:s2] =	stream.indirect.scatter.add.f32 [tilespmem:s13], [sflag:$0x3], $0x10, s23, s12, $0xb8;
	[tilespmem:$0x19640] =	vst v63  }
0x42: {  	s24 =	ssub.s32 $0x2, s24;
	_ =	swait.ge [sflag:s6], $0x7D00  }
0x43: {  	s26 =	sshrl.u32 s24, $0x1;
	[sflag:s6] =	ssyncset.done $0x0  }
0x44: {  	s26 =	ssub.s32 s24, s26;
	[sflag:s6] =	ssyncadd.s32 $0xFFFF8300  }
0x45: {  	s31 =	smax.u32 s26, $0x1;
	[bflag:$0x0] =	sbarrier.arrive $0xFFFF  }
0x46: {  	[tilespmem:s7], [sflag:$0x3] =	stream.linear.gather [spmem:s8], $0x2710, $0x38;
	[tilespmem:$0x19640] =	vst v63  }
0x47: {  	p0 =	sne.s32 s31, $0x1;
	_ =	swait.ge [sflag:s6], $0x2710  }
.Ltmp0:
0x48: {  	[sflag:s6] =	ssyncset.done $0x0;
	(pc) =	sbr.rel @!p0 .LBB2_2-.Ltmp0, $4  }
0x49: {  	s24 =	sadd.s32 $0x15400, s25;
	[sflag:s6] =	ssyncadd.s32 $0xFFFFD8F0  }
0x4a: {  	[hbm4b:s24+s4] =	stream.linear.scatter [tilespmem:s7], [sflag:$0x3], $0x2710, $0x38;
	[tilespmem:$0x19640] =	vst v63  }
0x4b: {  	_ =	swait.ge [sflag:s6], $0x2710  }
0x4c: {  	s25 =	sadd.s32 $0xFFFFFFFF, s31;
	[sflag:s6] =	ssyncset.done $0x0  }
.LBB2_1:
0x4d: {  	p0 =	sne.s32 s25, $0x1;
	s25 =	sadd.s32 $0xFFFFFFFF, s25;
	[sflag:s6] =	ssyncadd.s32 $0xFFFFD8F0  }
0x4e: {  	[tilespmem:s7], [sflag:$0x3] =	stream.linear.gather [hbm4b:s5+s4], $0x2710, $0x38;
	[tilespmem:$0x19640] =	vst v63  }
0x4f: {  	_ =	swait.ge [sflag:s6], $0x2710  }
0x50: {  	[sflag:s6] =	ssyncset.done $0x0  }
0x51: {  	[sflag:s6] =	ssyncadd.s32 $0xFFFFD8F0  }
0x52: {  	[spmem:s8] =	stream.linear.scatter [tilespmem:s7], [sflag:$0x3], $0x2710, $0x38;
	[tilespmem:$0x19640] =	vst v63  }
0x53: {  	_ =	swait.ge [sflag:s6], $0x2710  }
0x54: {  	[sflag:s6] =	ssyncset.done $0x0  }
0x55: {  	[sflag:s6] =	ssyncadd.s32 $0xFFFFD8F0  }
0x56: {  	[tilespmem:s4], [sflag:$0x3] =	stream.linear.gather [hbm4b:s9+s4], $0x2710, $0x38;
	[tilespmem:$0x19640] =	vst v63  }
0x57: {  	_ =	swait.ge [sflag:s6], $0x2710  }
0x58: {  	[sflag:s6] =	ssyncset.done $0x0  }
0x59: {  	[sflag:s6] =	ssyncadd.s32 $0xFFFFD8F0  }
0x5a: {  	[tilespmem:s11], [sflag:$0x3] =	stream.linear.gather [hbm4b:s10+s4], $0x2710, $0x38;
	[tilespmem:$0x19640] =	vst v63  }
0x5b: {  	_ =	swait.ge [sflag:s6], $0x2710  }
0x5c: {  	[sflag:s6] =	ssyncset.done $0x0  }
0x5d: {  	[sflag:s6] =	ssyncadd.s32 $0xFFFFD8F0  }
0x5e: {  	[bflag:$0x0] =	sbarrier.arrive $0xFFFF  }
0x5f: {  	[tilespmem:s13], [sflag:$0x1] =	stream.indirect.gather [hbm4b:s1+s12], $0x10, s4, s12, $0xb8;
	[tilespmem:$0x19640] =	vst v63  }
0x60: {  	_ =	swait.ge [sflag:s14], $0x7D00  }
0x61: {  	[sflag:s14] =	ssyncset.done $0x0  }
0x62: {  	[sflag:s14] =	ssyncadd.s32 $0xFFFF8300  }
0x63: {  	[tilespmem:s15], [sflag:$0x2] =	stream.indirect.gather [hbm4b:s1+s12], $0x10, s12, s12, $0xb8;
	[tilespmem:$0x19640] =	vst v63  }
0x64: {  	_ = 	snop  }
0x65: {  	[spmem:s2] =	stream.indirect.scatter.add.f32 [tilespmem:s13], [sflag:$0x3], $0x10, s11, s12, $0xb8;
	[tilespmem:$0x19640] =	vst v63  }
0x66: {  	_ =	swait.ge [sflag:s6], $0x7D00  }
0x67: {  	[sflag:s6] =	ssyncset.done $0x0  }
0x68: {  	[sflag:s6] =	ssyncadd.s32 $0xFFFF8300  }
0x69: {  	_ =	swait.ge [sflag:s16], $0x7D00  }
0x6a: {  	[sflag:s16] =	ssyncset.done $0x0  }
0x6b: {  	[sflag:s16] =	ssyncadd.s32 $0xFFFF8300  }
0x6c: {  	[tilespmem:s13], [sflag:$0x1] =	stream.indirect.gather [hbm4b:s1+s12], $0x10, s17, s12, $0xb8;
	[tilespmem:$0x19640] =	vst v63  }
0x6d: {  	_ = 	snop  }
0x6e: {  	[spmem:s2] =	stream.indirect.scatter.add.f32 [tilespmem:s15], [sflag:$0x3], $0x10, s18, s12, $0xb8;
	[tilespmem:$0x19640] =	vst v63  }
0x6f: {  	_ =	swait.ge [sflag:s6], $0x7D00  }
0x70: {  	[sflag:s6] =	ssyncset.done $0x0  }
0x71: {  	[sflag:s6] =	ssyncadd.s32 $0xFFFF8300  }
0x72: {  	_ =	swait.ge [sflag:s14], $0x7D00  }
0x73: {  	[sflag:s14] =	ssyncset.done $0x0  }
0x74: {  	[sflag:s14] =	ssyncadd.s32 $0xFFFF8300  }
0x75: {  	[tilespmem:s15], [sflag:$0x2] =	stream.indirect.gather [hbm4b:s1+s12], $0x10, s19, s12, $0xb8;
	[tilespmem:$0x19640] =	vst v63  }
0x76: {  	_ = 	snop  }
0x77: {  	[spmem:s2] =	stream.indirect.scatter.add.f32 [tilespmem:s13], [sflag:$0x3], $0x10, s20, s12, $0xb8;
	[tilespmem:$0x19640] =	vst v63  }
0x78: {  	_ =	swait.ge [sflag:s6], $0x7D00  }
0x79: {  	[sflag:s6] =	ssyncset.done $0x0  }
0x7a: {  	[sflag:s6] =	ssyncadd.s32 $0xFFFF8300  }
0x7b: {  	_ =	swait.ge [sflag:s16], $0x7D00  }
0x7c: {  	[sflag:s16] =	ssyncset.done $0x0  }
0x7d: {  	[sflag:s16] =	ssyncadd.s32 $0xFFFF8300  }
0x7e: {  	[tilespmem:s13], [sflag:$0x1] =	stream.indirect.gather [hbm4b:s1+s12], $0x10, s21, s12, $0xb8;
	[tilespmem:$0x19640] =	vst v63  }
0x7f: {  	_ = 	snop  }
0x80: {  	[spmem:s2] =	stream.indirect.scatter.add.f32 [tilespmem:s15], [sflag:$0x3], $0x10, s22, s12, $0xb8;
	[tilespmem:$0x19640] =	vst v63  }
0x81: {  	_ =	swait.ge [sflag:s6], $0x7D00  }
0x82: {  	[sflag:s6] =	ssyncset.done $0x0  }
0x83: {  	[sflag:s6] =	ssyncadd.s32 $0xFFFF8300  }
0x84: {  	_ =	swait.ge [sflag:s14], $0x7D00  }
0x85: {  	[sflag:s14] =	ssyncset.done $0x0  }
0x86: {  	[sflag:s14] =	ssyncadd.s32 $0xFFFF8300  }
0x87: {  	[spmem:s2] =	stream.indirect.scatter.add.f32 [tilespmem:s13], [sflag:$0x3], $0x10, s23, s12, $0xb8;
	[tilespmem:$0x19640] =	vst v63  }
0x88: {  	_ =	swait.ge [sflag:s6], $0x7D00  }
0x89: {  	[sflag:s6] =	ssyncset.done $0x0  }
0x8a: {  	[sflag:s6] =	ssyncadd.s32 $0xFFFF8300  }
0x8b: {  	[bflag:$0x0] =	sbarrier.arrive $0xFFFF  }
0x8c: {  	[tilespmem:s7], [sflag:$0x3] =	stream.linear.gather [spmem:s8], $0x2710, $0x38;
	[tilespmem:$0x19640] =	vst v63  }
0x8d: {  	_ =	swait.ge [sflag:s6], $0x2710  }
.Ltmp1:
0x8e: {  	[sflag:s6] =	ssyncset.done $0x0;
	(pc) =	sbr.rel @p0 .LBB2_1-.Ltmp1, $4  }
0x8f: {  	[sflag:s6] =	ssyncadd.s32 $0xFFFFD8F0  }
0x90: {  	[hbm4b:s24+s4] =	stream.linear.scatter [tilespmem:s7], [sflag:$0x3], $0x2710, $0x38;
	[tilespmem:$0x19640] =	vst v63  }
0x91: {  	_ =	swait.ge [sflag:s6], $0x2710  }
0x92: {  	[sflag:s6] =	ssyncset.done $0x0  }
.LBB2_2:
0x93: {  	[sflag:s6] =	ssyncadd.s32 $0xFFFFD8F0  }
0x94: {  	_ =	sfence.sel $0x180000  }
0x95: {  	[bflag:$0x0] =	sbarrier.arrive $0xFFFF  }
0x96: {  	p0 =	sne.s32 s3, $0x0;
	_ =	strace $0x9000004D  }
0x97: {  	s0 =	sadd.s32 @!p0 $0x100000, s0;
	[bflag:$0x2] =	sbarrier.arrive $0xFFFF  }
0x98: {  	[sflag:s0] =	ssyncadd.tile.s32 @!p0 $0x1;
	_ =	shalt  }
.Lfunc_end2:
_tile_overlayer_lowered:
.L_overlay_start_2:
0x99: {  	(tag) =	ssettag $0x2  }
0x9a: {  	s0 =	rddreg [dreg:$0x0];
	s2 =	stileid.u32  }
0x9b: {  	s1 =	rddreg [dreg:$0x1];
	p0 =	sne.s32 s2, $0x0  }
0x9c: {  	s3 =	rddreg [dreg:$0x2];
	[bflag:$0x3] =	sbarrier.arrive $0xFFFF;
	s2 =	simm.s32 @!p0 $0x1C03  }
0x9d: {  	[timem:s3], [sflag:s2] =	dma.local @!p0 [hbm:s0], s1  }
0x9e: {  	s0 =	simm.s32 @!p0 $0x3  }
0x9f: {  	_ =	swait.ge @!p0 [sflag:s0], s1  }
0xa0: {  	s1 =	ssub.s32 @!p0 $0x0, s1;
	[sflag:s0] =	ssyncset.done @!p0 $0x0  }
0xa1: {  	[sflag:s0] =	ssyncadd.s32 @!p0 s1  }
0xa2: {  	[bflag:$0x3] =	sbarrier.arrive $0xFFFF  }
0xa3: {  	_ =	shalt  }

// kernel: kernel.8.cloned.1.call-start
scs
__scs_entry_jumppad:
0x0: {  	(pc) =	sbr.rel $0x88, $3  }
0x1: {  	(tag) =	ssettag $0x0;
	lr =	simm.s32 $0x1  }
0x2: {  	[smem:$0x3F9D] =	sst lr;
	_ =	strace $0xD0000000  }
0x3: {  	_ = 	snop  }
0x4: {  	_ = 	snop  }
0x5: {  	_ = 	snop  }
0x6: {  	_ = 	snop  }
0x7: {  	_ = 	snop  }
__scs_overlays_trampoline_lowered:
0x8: {  	[smem:$0x3FAC] =	sst s0  }
0x9: {  	[smem:$0x3FAD] =	sst s1  }
0xa: {  	[smem:$0x3FAE] =	sst s2  }
0xb: {  	[smem:$0x3FAF] =	sst s3  }
0xc: {  	[smem:$0x3FB0] =	sst s4  }
0xd: {  	[smem:$0x3FB1] =	sst s5  }
0xe: {  	[smem:$0x3FB2] =	sst s6  }
0xf: {  	[smem:$0x3FB3] =	sst s7  }
0x10: {  	[smem:$0x3FB4] =	sst s8  }
0x11: {  	[smem:$0x3FB5] =	sst s9;
	s0 =	simm.s32 @!p0 $0x0  }
0x12: {  	s1 =	sld [smem:$0x3F9B];
	s0 =	simm.s32 @p0 $0x1  }
0x13: {  	[smem:$0x3FB6] =	sst s0;
	s0 =	simm.s32 @!p1 $0x0  }
0x14: {  	s2 =	sld [smem:$0x3F9A];
	s0 =	simm.s32 @p1 $0x1  }
0x15: {  	[smem:$0x3FB7] =	sst s0;
	s0 =	simm.s32 @!p2 $0x0  }
0x16: {  	s3 =	sld [smem:$0x3FDB];
	s0 =	simm.s32 @p2 $0x1  }
0x17: {  	s4 =	simm.s32 $0x1BF5;
	[smem:$0x3FB9] =	sst s0  }
0x18: {  	s0 =	sld [smem:$0x3F9C];
	_ =	swait.ge [sflag:s4], $0x0  }
0x19: {  	s7 =	sld [smem:$0x3F9D]  }
0x1a: {  	s8 =	sadd.s32 $0xFFFFE003, lr  }
0x1b: {  	s9 =	sadd.s32 $0xFFFFFEF7, lr;
	s5 =	simm.s32 $0xFFFFFFFF;
	p2 =	slt.u32 s8, $0xFFFFF086  }
0x1c: {  	p1 =	slt.u32 s9, $0xF7A;
	s5 =	simm.s32 @!p2 $0x0  }
0x1d: {  	s5 =	simm.s32 @p1 $0x1;
	p0 =	seq.s32 s7, s2  }
0x1e: {  	s7 =	smul.u32 @!p0 $0xF7A, s2;
	p2 =	seq.s32 @!p0 s5, $0x0  }
0x1f: {  	s9 =	smul.u32 $0xF7A, s1;
	s8 =	simm.s32 @!p0 $0x1BF5;
	p2 =	por !p2, p0  }
0x20: {  	[sflag:s8] =	ssyncset.s32 @!p0 $0xFFFFF086;
	s6 =	sadd.s32 @!p0 s3, s7;
	s7 =	simm.s32 @!p0 $0x108  }
0x21: {  	s3 =	sadd.s32 s3, s9;
	s6 =	sadd.s32 @!p0 $0x88, s6;
	s7 =	simm.s32 @p2 $0x1082  }
0x22: {  	[simem:s7], [sflag:s8] =	dma.local @!p0 [hbm:s6], $0xF7A  }
0x23: {  	s9 =	sor.u32 $0xD0000000, s2;
	s6 =	simm.s32 $0x108;
	_ =	swait.ge @!p0 [sflag:s8], $0x0  }
0x24: {  	s3 =	sadd.s32 $0x88, s3;
	s6 =	simm.s32 @!p1 $0x1082;
	[sflag:s4] =	ssyncset.s32 $0xFFFFF086  }
0x25: {  	[simem:s6], [sflag:s4] =	dma.local [hbm:s3], $0xF7A  }
0x26: {  	[smem:$0x3F9D] =	sst s1;
	(tag) =	ssettag s2;
	_ =	strace s9  }
0x27: {  	s1 =	sld [smem:$0x3FAD]  }
0x28: {  	s2 =	sld [smem:$0x3FAE]  }
0x29: {  	s4 =	sld [smem:$0x3FB0]  }
0x2a: {  	p0 =	seq.s32 s5, $0x0;
	s5 =	sld [smem:$0x3FB1]  }
0x2b: {  	s6 =	sld [smem:$0x3FB2]  }
0x2c: {  	s7 =	sld [smem:$0x3FB3]  }
0x2d: {  	s3 =	simm.s32 $0x108;
	s8 =	sld [smem:$0x3FB4]  }
0x2e: {  	s3 =	simm.s32 @!p0 $0x1082;
	s9 =	sld [smem:$0x3FB5]  }
0x2f: {  	lr =	sadd.s32 s0, s3;
	s0 =	sld [smem:$0x3FAC]  }
0x30: {  	s3 =	sld [smem:$0x3FAF]  }
0x31: {  	[smem:$0x3FB8] =	sst s10  }
0x32: {  	s10 =	sld [smem:$0x3FB6];
	_ =	sdelay $0x3  }
0x33: {  	p0 =	seq.s32 s10, $0x1;
	s10 =	sld [smem:$0x3FB8];
	_ =	sdelay $0x3  }
0x34: {  	[smem:$0x3FB8] =	sst s10  }
0x35: {  	s10 =	sld [smem:$0x3FB7];
	_ =	sdelay $0x3  }
0x36: {  	p1 =	seq.s32 s10, $0x1;
	s10 =	sld [smem:$0x3FB8];
	_ =	sdelay $0x3  }
0x37: {  	[smem:$0x3FB8] =	sst s10  }
0x38: {  	s10 =	sld [smem:$0x3FB9]  }
0x39: {  	_ = 	snop;
	(pc) =	sbr.ind lr, $3  }
0x3a: {  	_ = 	snop  }
0x3b: {  	_ = 	snop  }
0x3c: {  	p2 =	seq.s32 s10, $0x1;
	s10 =	sld [smem:$0x3FB8]  }
0x3d: {  	_ =	shalt  }
0x3e: {  	_ =	shalt  }
0x3f: {  	_ =	shalt  }
0x40: {  	_ =	shalt  }
0x41: {  	_ =	shalt  }
0x42: {  	_ =	shalt  }
0x43: {  	_ =	shalt  }
0x44: {  	_ =	shalt  }
0x45: {  	_ =	shalt  }
0x46: {  	_ =	shalt  }
0x47: {  	_ =	shalt  }
0x48: {  	_ =	shalt  }
0x49: {  	_ =	shalt  }
0x4a: {  	_ =	shalt  }
0x4b: {  	_ =	shalt  }
0x4c: {  	_ =	shalt  }
0x4d: {  	_ =	shalt  }
0x4e: {  	_ =	shalt  }
0x4f: {  	_ =	shalt  }
0x50: {  	_ =	shalt  }
0x51: {  	_ =	shalt  }
0x52: {  	_ =	shalt  }
0x53: {  	_ =	shalt  }
0x54: {  	_ =	shalt  }
0x55: {  	_ =	shalt  }
0x56: {  	_ =	shalt  }
0x57: {  	_ =	shalt  }
0x58: {  	_ =	shalt  }
0x59: {  	_ =	shalt  }
0x5a: {  	_ =	shalt  }
0x5b: {  	_ =	shalt  }
0x5c: {  	_ =	shalt  }
0x5d: {  	_ =	shalt  }
0x5e: {  	_ =	shalt  }
0x5f: {  	_ =	shalt  }
0x60: {  	_ =	shalt  }
0x61: {  	_ =	shalt  }
0x62: {  	_ =	shalt  }
0x63: {  	_ =	shalt  }
0x64: {  	_ =	shalt  }
0x65: {  	_ =	shalt  }
0x66: {  	_ =	shalt  }
0x67: {  	_ =	shalt  }
0x68: {  	_ =	shalt  }
0x69: {  	_ =	shalt  }
0x6a: {  	_ =	shalt  }
0x6b: {  	_ =	shalt  }
0x6c: {  	_ =	shalt  }
0x6d: {  	_ =	shalt  }
0x6e: {  	_ =	shalt  }
0x6f: {  	_ =	shalt  }
0x70: {  	_ =	shalt  }
0x71: {  	_ =	shalt  }
0x72: {  	_ =	shalt  }
0x73: {  	_ =	shalt  }
0x74: {  	_ =	shalt  }
0x75: {  	_ =	shalt  }
0x76: {  	_ =	shalt  }
0x77: {  	_ =	shalt  }
0x78: {  	_ =	shalt  }
0x79: {  	_ =	shalt  }
0x7a: {  	_ =	shalt  }
0x7b: {  	_ =	shalt  }
0x7c: {  	_ =	shalt  }
0x7d: {  	_ =	shalt  }
0x7e: {  	_ =	shalt  }
0x7f: {  	_ =	shalt  }
0x80: {  	_ =	shalt  }
0x81: {  	_ =	shalt  }
0x82: {  	_ =	shalt  }
0x83: {  	_ =	shalt  }
0x84: {  	_ =	shalt  }
0x85: {  	_ =	shalt  }
0x86: {  	_ =	shalt  }
0x87: {  	_ =	shalt  }
.Lfunc_end0:
.L_simem_size_0:
called_computation_lowered:
.L_overlay_start_0:
0x88: {  	s2 =	sld [smem:$0x3FD9]  }
0x89: {  	s3 =	sld [smem:$0x3FFE];
	_ =	sdelay $0x1  }
0x8a: {  	s1 =	srdreg.scid  }
0x8b: {  	s0 =	sand.u32 $0x1, s1  }
0x8c: {  	s17 =	sshll.u32 s0, $0xA;
	s2 =	sadd.s32 s3, s2  }
0x8d: {  	s2 =	sadd.s32 s2, s17  }
0x8e: {  	[smem:$0x3FC4] =	sst s2  }
0x8f: {  	_ = 	snop  }
0x90: {  	s2 =	sld [smem:$0x3FD0];
	(tm) =	ssettm $0x1  }
0x91: {  	s18 =	sld [smem:$0x3FFB];
	_ =	sdelay $0x3  }
0x92: {  	_ =	strace s18  }
0x93: {  	s3 =	sld [smem:$0x3FFC];
	_ =	sdelay $0x3  }
0x94: {  	_ =	strace s3  }
0x95: {  	s3 =	sld [smem:$0x3FFD];
	_ =	sdelay $0x3  }
0x96: {  	_ =	strace s3  }
0x97: {  	_ =	strace $0x8FFFFFFF  }
0x98: {  	s19 =	sld [smem:$0x3FDB];
	_ =	sdelay $0x1  }
0x99: {  	s4 =	simm.s32 $_scs_section_size  }
0x9a: {  	s5 =	simm.s32 $_size__tile_overlayer_lowered;
	s6 =	simm.s32 $_tile_overlayer_lowered  }
0x9b: {  	s22 =	simm.s32 $0x1BFF;
	s21 =	sshll.u32 s6, $0x1;
	s3 =	sadd.s32 s4, s19  }
0x9c: {  	s7 =	simm.s32 $0x0;
	s20 =	sshll.u32 s5, $0x1;
	s5 =	sadd.s32 s21, s3  }
0x9d: {  	[timem:s7], [sflag:s22] =	dma.local [hbm:s5], s20  }
0x9e: {  	_ =	swait.ge [sflag:s22], s20  }
0x9f: {  	s4 =	ssub.s32 $0x0, s20;
	[sflag:s22] =	ssyncset.done $0x0  }
0xa0: {  	[sflag:s22] =	ssyncadd.s32 s4;
	_ =	sdelay $0x1  }
0xa1: {  	s23 =	simm.s32 $0x1B8B  }
0xa2: {  	_ =	swait.ge [sflag:s23], $0x1  }
0xa3: {  	[sflag:s23] =	ssyncset.done $0x0  }
0xa4: {  	s25 =	simm.s32 $0x1B8E;
	s24 =	sld [smem:$0x3FFE];
	[sflag:s23] =	ssyncadd.s32 $0xFFFFFFFF  }
0xa5: {  	s26 =	simm.s32 $execute0_lowered;
	[smem:$0x3FD2] =	sst s25  }
0xa6: {  	s5 =	sshll.u32 s26, $0x1;
	_ =	strace $0x80000046;
	[dreg:$0x1] =	wrdreg $0xFFFFFFFF  }
0xa7: {  	s28 =	simm.s32 $_size_execute0_lowered;
	s3 =	sadd.s32 s3, s5;
	[dreg:$0x0] =	wrdreg $0x0  }
0xa8: {  	s5 =	sshll.u32 s28, $0x1;
	[dreg:$0x2] =	wrdreg s3  }
0xa9: {  	[dreg:$0x3] =	wrdreg s5  }
0xaa: {  	[dreg:$0x4] =	wrdreg $0xC0  }
0xab: {  	_ =	task [dreg:s7], $0x5FFFF  }
0xac: {  	[dreg:$0x1] =	wrdreg $0xFFFFFFFF  }
0xad: {  	[dreg:$0x0] =	wrdreg $0x60  }
0xae: {  	[dreg:$0x2] =	wrdreg s24  }
0xaf: {  	[dreg:$0x3] =	wrdreg s2  }
0xb0: {  	[dreg:$0x4] =	wrdreg $0x50980  }
0xb1: {  	[dreg:$0x5] =	wrdreg $0x9  }
0xb2: {  	_ =	task.clear_ibuf [dreg:s7], $0x6FFFF;
	_ =	strace $0x90000046  }
0xb3: {  	s29 =	simm.s32 $0x9;
	_ =	strace $0x80000048  }
0xb4: {  	_ =	swait.ge [sflag:s29], $0x1  }
0xb5: {  	[sflag:s29] =	ssyncadd.s32 $0xFFFFFFFF  }
0xb6: {  	_ =	strace $0x90000048  }
0xb7: {  	_ =	sfence  }
0xb8: {  	s30 =	sld [smem:$0x0];
	_ =	sdelay $0x2  }
0xb9: {  	s31 =	sshll.u32 s1, $0xD;
	s1 =	sshrl.u32 s1, $0x2  }
0xba: {  	s3 =	sand.u32 $0x4000, s31;
	s1 =	sadd.s32 s1, s30  }
0xbb: {  	s0 =	sor.u32 s3, s0;
	s1 =	sshll.u32 s1, $0x11  }
0xbc: {  	s0 =	sor.u32 s1, s0  }
0xbd: {  	s0 =	sadd.s32 $0x8F2B, s0  }
0xbe: {  	[sflag:s0] =	ssyncadd.remote.s32 $0x1  }
0xbf: {  	_ =	sfence.sel $0xFFFF  }
0xc0: {  	[dreg:$0x0] =	wrdreg $0xFFFFFFFF;
	(pc) =	sbr.abs _section_cstart, $3  }
0xc1: {  	[dreg:$0x1] =	wrdreg $0xFFFFFFFF  }
0xc2: {  	_ =	task.clear_ibuf [dreg:s7], $0x2FFFF;
	_ =	strace $0x9FFFFFFF  }
0xc3: {  	(tm) =	ssettm $0x7FFFFFFF  }
tec
execute0_lowered:
.L_overlay_start_1:
0x0: {  	(tag) =	ssettag $0x1  }
0x1: {  	s10 =	rddreg [dreg:$0x0]  }
0x2: {  	s11 =	rddreg [dreg:$0x1]  }
0x3: {  	s2 =	rddreg [dreg:$0x2]  }
0x4: {  	s0 =	rddreg [dreg:$0x3];
	s3 =	simm.s32 $0x0;
	s1 =	stileid.u32  }
0x5: {  	s6 =	simm.s32 $0x4E20;
	s5 =	simm.s32 $0x1;
	[smem:$0x7FF] =	sst s3  }
0x6: {  	s4 =	sadd.s32 $0x14E00, s10;
	s7 =	smul.u32 $0x9E0, s1;
	_ =	strace $0x80000047  }
0x7: {  	[tilespmem:s6], [sflag:$0x1] =	stream.linear.gather [hbm4b:s4+s3], $0x278, $0x38;
	[tilespmem:$0x5310] =	vst v63  }
0x8: {  	_ =	swait.ge [sflag:s5], $0x278  }
0x9: {  	s8 =	srdreg.scid;
	s7 =	sshrl.u32 s7, $0x2;
	[sflag:s5] =	ssyncset.done $0x0  }
0xa: {  	s12 =	sand.u32 $0x1, s8;
	s7 =	sadd.s32 s7, s2;
	[sflag:s5] =	ssyncadd.s32 $0xFFFFFD88  }
0xb: {  	[spmem:s7] =	stream.linear.scatter [tilespmem:s6], [sflag:$0x1], $0x278, $0x38;
	[tilespmem:$0x5310] =	vst v63  }
0xc: {  	s8 =	sshll.u32 s12, $0x4;
	_ =	swait.ge [sflag:s5], $0x278  }
0xd: {  	s9 =	simm.s32 $0x2710;
	s13 =	sor.u32 s1, s8;
	[sflag:s5] =	ssyncset.done $0x0  }
0xe: {  	s8 =	sadd.s32 $0x15000, s10;
	s14 =	smul.u32 $0x4E2, s13;
	[sflag:s5] =	ssyncadd.s32 $0xFFFFFD88  }
0xf: {  	[tilespmem:s9], [sflag:$0x1] =	stream.linear.gather [hbm4b:s8+s3], $0x2710, $0x38;
	[tilespmem:$0x5310] =	vst v63  }
0x10: {  	_ =	swait.ge [sflag:s5], $0x2710  }
0x11: {  	s10 =	sadd.s32 s14, s10;
	[sflag:s5] =	ssyncset.done $0x0  }
0x12: {  	s10 =	sadd.s32 $0xB000, s10;
	[sflag:s5] =	ssyncadd.s32 $0xFFFFD8F0  }
0x13: {  	[tilespmem:s3], [sflag:$0x1] =	stream.linear.gather [hbm4b:s10+s3], $0x2710, $0x38;
	[tilespmem:$0x5310] =	vst v63  }
0x14: {  	_ =	swait.ge [sflag:s5], $0x2710  }
0x15: {  	[sflag:s5] =	ssyncset.done $0x0  }
0x16: {  	[sflag:s5] =	ssyncadd.s32 $0xFFFFD8F0  }
0x17: {  	[bflag:$0x0] =	sbarrier.arrive $0xFFFF  }
0x18: {  	[spmem:s2] =	stream.indirect.scatter.add.f32 [tilespmem:s9], [sflag:$0x1], $0x1, s3, s9, $0xb8;
	[tilespmem:$0x5310] =	vst v63  }
0x19: {  	s12 =	ssub.s32 $0x2, s12;
	_ =	swait.ge [sflag:s5], $0x2710  }
0x1a: {  	s31 =	sshrl.u32 s12, $0x1;
	[sflag:s5] =	ssyncset.done $0x0  }
0x1b: {  	s12 =	ssub.s32 s12, s31;
	[sflag:s5] =	ssyncadd.s32 $0xFFFFD8F0  }
0x1c: {  	s12 =	smax.u32 s12, $0x1;
	[bflag:$0x0] =	sbarrier.arrive $0xFFFF  }
0x1d: {  	[tilespmem:s6], [sflag:$0x1] =	stream.linear.gather [spmem:s7], $0x278, $0x38;
	[tilespmem:$0x5310] =	vst v63  }
0x1e: {  	s13 =	smul.u32 $0x4F, s13;
	p0 =	sne.s32 s12, $0x1;
	_ =	swait.ge [sflag:s5], $0x278  }
.Ltmp0:
0x1f: {  	[sflag:s5] =	ssyncset.done $0x0;
	(pc) =	sbr.rel @!p0 .LBB2_2-.Ltmp0, $4  }
0x20: {  	s11 =	sadd.s32 s11, s13;
	[sflag:s5] =	ssyncadd.s32 $0xFFFFFD88  }
0x21: {  	[hbm4b:s11+s3] =	stream.linear.scatter [tilespmem:s6], [sflag:$0x1], $0x278, $0x38;
	[tilespmem:$0x5310] =	vst v63  }
0x22: {  	_ =	swait.ge [sflag:s5], $0x278  }
0x23: {  	s12 =	sadd.s32 $0xFFFFFFFF, s12;
	[sflag:s5] =	ssyncset.done $0x0  }
.LBB2_1:
0x24: {  	p0 =	sne.s32 s12, $0x1;
	s12 =	sadd.s32 $0xFFFFFFFF, s12;
	[sflag:s5] =	ssyncadd.s32 $0xFFFFFD88  }
0x25: {  	[tilespmem:s6], [sflag:$0x1] =	stream.linear.gather [hbm4b:s4+s3], $0x278, $0x38;
	[tilespmem:$0x5310] =	vst v63  }
0x26: {  	_ =	swait.ge [sflag:s5], $0x278  }
0x27: {  	[sflag:s5] =	ssyncset.done $0x0  }
0x28: {  	[sflag:s5] =	ssyncadd.s32 $0xFFFFFD88  }
0x29: {  	[spmem:s7] =	stream.linear.scatter [tilespmem:s6], [sflag:$0x1], $0x278, $0x38;
	[tilespmem:$0x5310] =	vst v63  }
0x2a: {  	_ =	swait.ge [sflag:s5], $0x278  }
0x2b: {  	[sflag:s5] =	ssyncset.done $0x0  }
0x2c: {  	[sflag:s5] =	ssyncadd.s32 $0xFFFFFD88  }
0x2d: {  	[tilespmem:s9], [sflag:$0x1] =	stream.linear.gather [hbm4b:s8+s3], $0x2710, $0x38;
	[tilespmem:$0x5310] =	vst v63  }
0x2e: {  	_ =	swait.ge [sflag:s5], $0x2710  }
0x2f: {  	[sflag:s5] =	ssyncset.done $0x0  }
0x30: {  	[sflag:s5] =	ssyncadd.s32 $0xFFFFD8F0  }
0x31: {  	[tilespmem:s3], [sflag:$0x1] =	stream.linear.gather [hbm4b:s10+s3], $0x2710, $0x38;
	[tilespmem:$0x5310] =	vst v63  }
0x32: {  	_ =	swait.ge [sflag:s5], $0x2710  }
0x33: {  	[sflag:s5] =	ssyncset.done $0x0  }
0x34: {  	[sflag:s5] =	ssyncadd.s32 $0xFFFFD8F0  }
0x35: {  	[bflag:$0x0] =	sbarrier.arrive $0xFFFF  }
0x36: {  	[spmem:s2] =	stream.indirect.scatter.add.f32 [tilespmem:s9], [sflag:$0x1], $0x1, s3, s9, $0xb8;
	[tilespmem:$0x5310] =	vst v63  }
0x37: {  	_ =	swait.ge [sflag:s5], $0x2710  }
0x38: {  	[sflag:s5] =	ssyncset.done $0x0  }
0x39: {  	[sflag:s5] =	ssyncadd.s32 $0xFFFFD8F0  }
0x3a: {  	[bflag:$0x0] =	sbarrier.arrive $0xFFFF  }
0x3b: {  	[tilespmem:s6], [sflag:$0x1] =	stream.linear.gather [spmem:s7], $0x278, $0x38;
	[tilespmem:$0x5310] =	vst v63  }
0x3c: {  	_ =	swait.ge [sflag:s5], $0x278  }
.Ltmp1:
0x3d: {  	[sflag:s5] =	ssyncset.done $0x0;
	(pc) =	sbr.rel @p0 .LBB2_1-.Ltmp1, $4  }
0x3e: {  	[sflag:s5] =	ssyncadd.s32 $0xFFFFFD88  }
0x3f: {  	[hbm4b:s11+s3] =	stream.linear.scatter [tilespmem:s6], [sflag:$0x1], $0x278, $0x38;
	[tilespmem:$0x5310] =	vst v63  }
0x40: {  	_ =	swait.ge [sflag:s5], $0x278  }
0x41: {  	[sflag:s5] =	ssyncset.done $0x0  }
.LBB2_2:
0x42: {  	[sflag:s5] =	ssyncadd.s32 $0xFFFFFD88  }
0x43: {  	_ =	sfence.sel $0x180000  }
0x44: {  	[bflag:$0x0] =	sbarrier.arrive $0xFFFF  }
0x45: {  	p0 =	sne.s32 s1, $0x0;
	_ =	strace $0x90000047  }
0x46: {  	s0 =	sadd.s32 @!p0 $0x100000, s0;
	[bflag:$0x2] =	sbarrier.arrive $0xFFFF  }
0x47: {  	[sflag:s0] =	ssyncadd.tile.s32 @!p0 $0x1;
	_ =	shalt  }
.Lfunc_end2:
_tile_overlayer_lowered:
.L_overlay_start_2:
0x48: {  	(tag) =	ssettag $0x2  }
0x49: {  	s0 =	rddreg [dreg:$0x0];
	s2 =	stileid.u32  }
0x4a: {  	s1 =	rddreg [dreg:$0x1];
	p0 =	sne.s32 s2, $0x0  }
0x4b: {  	s3 =	rddreg [dreg:$0x2];
	[bflag:$0x3] =	sbarrier.arrive $0xFFFF;
	s2 =	simm.s32 @!p0 $0x1C01  }
0x4c: {  	[timem:s3], [sflag:s2] =	dma.local @!p0 [hbm:s0], s1  }
0x4d: {  	s0 =	simm.s32 @!p0 $0x1  }
0x4e: {  	_ =	swait.ge @!p0 [sflag:s0], s1  }
0x4f: {  	s1 =	ssub.s32 @!p0 $0x0, s1;
	[sflag:s0] =	ssyncset.done @!p0 $0x0  }
0x50: {  	[sflag:s0] =	ssyncadd.s32 @!p0 s1  }
0x51: {  	[bflag:$0x3] =	sbarrier.arrive $0xFFFF  }
0x52: {  	_ =	shalt  }

</sc_bundles>
